<compile_context>
chip_gen: v7x
topology: tpu7x:2x2x1
jax: 0.10.2.dev20260603
libtpu: 0.0.44.dev20260713+nightly
codegen_flags: <defaults>
</compile_context>

<pallas_src>
import functools

import jax
import jax.numpy as jnp
from jax import lax
from jax.experimental import pallas as pl
from jax.experimental.pallas import tpu as pltpu
from jax.experimental.pallas import tpu_sc as plsc

_NC = 2
_NS = 16
_NW = _NC * _NS
_CHUNK = 128
_NBUF = 7
_LAG = 4


@functools.partial(jax.jit, static_argnums=(2, 3, 4))
def _sc_gather(idx3, table, nchunks, chunk, dim):
    b_per_w = nchunks * chunk
    total = _NW * b_per_w
    nsup = -(-(nchunks + _LAG) // _NBUF)

    mesh = plsc.VectorSubcoreMesh(
        core_axis_name="c", subcore_axis_name="s",
        num_cores=_NC, num_subcores=_NS,
    )

    def body(idx_hbm, table_hbm, out_hbm, idx_v, rows_v, *sems):
        gsem = sems[:_NBUF]
        osem = sems[_NBUF:]
        wid = lax.axis_index("s") * _NC + lax.axis_index("c")
        pltpu.sync_copy(idx_hbm.at[wid], idx_v)
        base_w = wid * b_per_w

        def fire_gather(c, b):
            pltpu.async_copy(table_hbm.at[idx_v.at[c]], rows_v.at[b], gsem[b])

        def wait_gather(b):
            pltpu.make_async_copy(
                table_hbm.at[pl.ds(0, chunk)], rows_v.at[b], gsem[b]).wait()

        def fire_out(c, b):
            pltpu.async_copy(
                rows_v.at[b], out_hbm.at[pl.ds(base_w + c * chunk, chunk)],
                osem[b])

        def wait_out(b):
            pltpu.make_async_copy(
                table_hbm.at[pl.ds(0, chunk)], rows_v.at[b], osem[b]).wait()

        def super_step(i, carry):
            for b in range(_NBUF):
                c = i * _NBUF + b

                @pl.when(jnp.logical_and(c >= _NBUF, c < nchunks))
                def _():
                    wait_out(b)

                @pl.when(c < nchunks)
                def _():
                    fire_gather(c, b)

                c2 = c - _LAG
                b2 = (b - _LAG) % _NBUF

                @pl.when(jnp.logical_and(c2 >= 0, c2 < nchunks))
                def _():
                    wait_gather(b2)
                    fire_out(c2, b2)
            return carry

        lax.fori_loop(0, nsup, super_step, 0)

        for b in range(_NBUF):
            wait_out(b)

    scratch = [
        pltpu.VMEM((nchunks, chunk), jnp.int32),
        pltpu.VMEM((_NBUF, chunk, dim), jnp.float32),
    ] + [pltpu.SemaphoreType.DMA] * (2 * _NBUF)

    return pl.kernel(
        body,
        out_type=jax.ShapeDtypeStruct((total, dim), jnp.float32),
        mesh=mesh,
        scratch_types=scratch,
    )(idx3, table)


def kernel(input, table):
    batch, hist = input.shape
    vocab, dim = table.shape
    total = batch * hist
    assert total % _NW == 0
    b_per_w = total // _NW
    assert b_per_w % _CHUNK == 0
    nchunks = b_per_w // _CHUNK
    assert nchunks >= _NBUF
    idx3 = input.reshape(_NW, nchunks, _CHUNK)
    out = _sc_gather(idx3, table, nchunks, _CHUNK, dim)
    return out.reshape(batch, hist, dim)

# --- scband reference (transcript-rebuilt; emitter-appended) ---
"""Pipeline reference for scband-embedding-layer-14044543058325 (READ-ONLY COPY).

The authoritative reference and input builder live on the scoring server;
editing this copy changes nothing except your own understanding.
"""

import jax, jax.numpy as jnp
import numpy as np

VOCAB = 100000
EMBED_DIM = 128
BATCH = 4096
HIST = 50


def setup_inputs(seed: int = 0) -> dict:
    key = jax.random.key(seed)
    k1, k2 = jax.random.split(key)
    indices = jax.random.randint(k1, (BATCH, HIST), 0, VOCAB, dtype=jnp.int32)
    table = jax.random.normal(k2, (VOCAB, EMBED_DIM), dtype=jnp.float32) * 0.05
    return {"input": indices, "table": table}


def reference(input, table):
    # Faithful translation of keras Embedding call: gather rows of the
    # embedding table by integer id.
    return jnp.take(table, input, axis=0)

if __name__ == "__main__":
    import jax
    _d = setup_inputs()
    print(jax.jit(kernel)(*tuple(_d.values())))

</pallas_src>

<mosaic_0001>
#map = affine_map<(d0, d1) -> (0, 0, 0)>
#map1 = affine_map<(d0, d1) -> (0, 0)>
module attributes {stable_mosaic.version = 14 : i64} {
  func.func @body(%arg0: i32, %arg1: i32, %arg2: memref<32x50x128xi32, #tpu.memory_space<hbm>>, %arg3: memref<100000x128xf32, #tpu.memory_space<hbm>>, %arg4: memref<204800x128xf32, #tpu.memory_space<hbm>>, %arg5: memref<50x128xi32, #tpu.memory_space<vmem>>, %arg6: memref<7x128x128xf32, #tpu.memory_space<vmem>>, %arg7: memref<!tpu.dma_semaphore, #tpu.memory_space<semaphore_mem>>, %arg8: memref<!tpu.dma_semaphore, #tpu.memory_space<semaphore_mem>>, %arg9: memref<!tpu.dma_semaphore, #tpu.memory_space<semaphore_mem>>, %arg10: memref<!tpu.dma_semaphore, #tpu.memory_space<semaphore_mem>>, %arg11: memref<!tpu.dma_semaphore, #tpu.memory_space<semaphore_mem>>, %arg12: memref<!tpu.dma_semaphore, #tpu.memory_space<semaphore_mem>>, %arg13: memref<!tpu.dma_semaphore, #tpu.memory_space<semaphore_mem>>, %arg14: memref<!tpu.dma_semaphore, #tpu.memory_space<semaphore_mem>>, %arg15: memref<!tpu.dma_semaphore, #tpu.memory_space<semaphore_mem>>, %arg16: memref<!tpu.dma_semaphore, #tpu.memory_space<semaphore_mem>>, %arg17: memref<!tpu.dma_semaphore, #tpu.memory_space<semaphore_mem>>, %arg18: memref<!tpu.dma_semaphore, #tpu.memory_space<semaphore_mem>>, %arg19: memref<!tpu.dma_semaphore, #tpu.memory_space<semaphore_mem>>, %arg20: memref<!tpu.dma_semaphore, #tpu.memory_space<semaphore_mem>>) attributes {dimension_semantics = [#tpu.dimension_semantics<core_parallel>, #tpu.dimension_semantics<subcore_parallel>], iteration_bounds = array<i64: 2, 16>, scalar_prefetch = 0 : i64, scratch_operands = 16 : i64, tpu.core_type = #tpu.core_type<sc_vector_subcore>, window_params = [{transform_indices = #map}, {transform_indices = #map1}, {transform_indices = #map1}]} {
    %mul3A = arith.constant 2 : i32
    %mul3A_0 = arith.muli %arg1, %mul3A : i32
    %add3A = arith.addi %mul3A_0, %arg0 : i32
    "tpu.region"() ({
      %run_scoped3A = tpu.sem_alloc : memref<!tpu.dma_semaphore, #tpu.memory_space<semaphore_mem>>
      %dma_start3A = arith.constant 0 : i32
      %dma_start3A_112 = arith.constant 0 : i32
      %dma_start3A_113 = tpu.memref_slice %arg2[%add3A, %dma_start3A, %dma_start3A_112] : memref<32x50x128xi32, #tpu.memory_space<hbm>> -> memref<1x50x128xi32, #tpu.memory_space<hbm>>
      %dma_start3A_114 = tpu.memref_squeeze %dma_start3A_113 : memref<1x50x128xi32, #tpu.memory_space<hbm>> -> memref<50x128xi32, #tpu.memory_space<hbm>>
      %dma_start3A_115 = arith.constant 0 : i32
      %dma_start3A_116 = arith.constant 0 : i32
      %dma_start3A_117 = tpu.memref_slice %arg2[%add3A, %dma_start3A_115, %dma_start3A_116] : memref<32x50x128xi32, #tpu.memory_space<hbm>> -> memref<1x50x128xi32, #tpu.memory_space<hbm>>
      %dma_start3A_118 = tpu.memref_squeeze %dma_start3A_117 : memref<1x50x128xi32, #tpu.memory_space<hbm>> -> memref<50x128xi32, #tpu.memory_space<hbm>>
      tpu.enqueue_dma source(%dma_start3A_118 : memref<50x128xi32, #tpu.memory_space<hbm>>) target(%arg5 : memref<50x128xi32, #tpu.memory_space<vmem>>) target_semaphore(%run_scoped3A : memref<!tpu.dma_semaphore, #tpu.memory_space<semaphore_mem>>)
      %dma_wait3A_119 = arith.constant 0 : i32
      %dma_wait3A_120 = arith.constant 0 : i32
      %dma_wait3A_121 = tpu.memref_slice %arg2[%add3A, %dma_wait3A_119, %dma_wait3A_120] : memref<32x50x128xi32, #tpu.memory_space<hbm>> -> memref<1x50x128xi32, #tpu.memory_space<hbm>>
      %dma_wait3A_122 = tpu.memref_squeeze %dma_wait3A_121 : memref<1x50x128xi32, #tpu.memory_space<hbm>> -> memref<50x128xi32, #tpu.memory_space<hbm>>
      %dma_wait3A_123 = arith.constant 0 : i32
      %dma_wait3A_124 = arith.constant 0 : i32
      %dma_wait3A_125 = tpu.memref_slice %arg2[%add3A, %dma_wait3A_123, %dma_wait3A_124] : memref<32x50x128xi32, #tpu.memory_space<hbm>> -> memref<1x50x128xi32, #tpu.memory_space<hbm>>
      %dma_wait3A_126 = tpu.memref_squeeze %dma_wait3A_125 : memref<1x50x128xi32, #tpu.memory_space<hbm>> -> memref<50x128xi32, #tpu.memory_space<hbm>>
      tpu.wait_dma2 semaphore(%run_scoped3A : memref<!tpu.dma_semaphore, #tpu.memory_space<semaphore_mem>>) src(%dma_wait3A_126 : memref<50x128xi32, #tpu.memory_space<hbm>>) dst(%arg5 : memref<50x128xi32, #tpu.memory_space<vmem>>)
      tpu.yield
    }) : () -> ()
    %mul3A_1 = arith.constant 6400 : i32
    %mul3A_2 = arith.muli %add3A, %mul3A_1 : i32
    %scan3A = arith.constant 0 : i32
    %scan3A_3 = arith.constant 0 : i32
    %scan3A_4 = arith.constant 8 : i32
    %scan3A_5 = arith.addi %scan3A_3, %scan3A_4 : i32
    %scan3A_6 = arith.constant 1 : i32
    scf.for %scan3A_112 = %scan3A_3 to %scan3A_5 step %scan3A_6  : i32 {
      %mul3A_113 = arith.constant 7 : i32
      %mul3A_114 = arith.muli %scan3A_112, %mul3A_113 : i32
      %add3A_115 = arith.constant 0 : i32
      %add3A_116 = arith.addi %mul3A_114, %add3A_115 : i32
      %ge3A = arith.constant 7 : i32
      %ge3A_117 = arith.cmpi sge, %add3A_116, %ge3A : i32
      %lt3A = arith.constant 50 : i32
      %lt3A_118 = arith.cmpi slt, %add3A_116, %lt3A : i32
      %and3A = arith.andi %ge3A_117, %lt3A_118 : i1
      %convert_element_type3A = arith.extui %and3A : i1 to i32
      %cond3A = arith.constant 0 : i32
      %cond3A_119 = arith.cmpi ne, %convert_element_type3A, %cond3A : i32
      scf.if %cond3A_119 {
        %dma_wait3A_296 = arith.constant 0 : i32
        %dma_wait3A_297 = arith.constant 0 : i32
        %dma_wait3A_298 = arith.constant 0 : i32
        %dma_wait3A_299 = tpu.memref_slice %arg6[%dma_wait3A_296, %dma_wait3A_297, %dma_wait3A_298] : memref<7x128x128xf32, #tpu.memory_space<vmem>> -> memref<1x128x128xf32, #tpu.memory_space<vmem>>
        %dma_wait3A_300 = tpu.memref_squeeze %dma_wait3A_299 : memref<1x128x128xf32, #tpu.memory_space<vmem>> -> memref<128x128xf32, #tpu.memory_space<vmem>>
        %dma_wait3A_301 = arith.constant 0 : i32
        %dma_wait3A_302 = arith.constant 0 : i32
        %dma_wait3A_303 = tpu.memref_slice %arg3[%dma_wait3A_301, %dma_wait3A_302] : memref<100000x128xf32, #tpu.memory_space<hbm>> -> memref<128x128xf32, #tpu.memory_space<hbm>>
        %dma_wait3A_304 = arith.constant 0 : i32
        %dma_wait3A_305 = arith.constant 0 : i32
        %dma_wait3A_306 = tpu.memref_slice %arg6[%dma_wait3A_296, %dma_wait3A_304, %dma_wait3A_305] : memref<7x128x128xf32, #tpu.memory_space<vmem>> -> memref<1x128x128xf32, #tpu.memory_space<vmem>>
        %dma_wait3A_307 = tpu.memref_squeeze %dma_wait3A_306 : memref<1x128x128xf32, #tpu.memory_space<vmem>> -> memref<128x128xf32, #tpu.memory_space<vmem>>
        %dma_wait3A_308 = arith.constant 0 : i32
        %dma_wait3A_309 = arith.constant 0 : i32
        %dma_wait3A_310 = tpu.memref_slice %arg3[%dma_wait3A_308, %dma_wait3A_309] : memref<100000x128xf32, #tpu.memory_space<hbm>> -> memref<128x128xf32, #tpu.memory_space<hbm>>
        tpu.wait_dma2 semaphore(%arg14 : memref<!tpu.dma_semaphore, #tpu.memory_space<semaphore_mem>>) src(%dma_wait3A_310 : memref<128x128xf32, #tpu.memory_space<hbm>>) dst(%dma_wait3A_307 : memref<128x128xf32, #tpu.memory_space<vmem>>)
      } else {
      }
      %lt3A_120 = arith.constant 50 : i32
      %lt3A_121 = arith.cmpi slt, %add3A_116, %lt3A_120 : i32
      %convert_element_type3A_122 = arith.extui %lt3A_121 : i1 to i32
      %cond3A_123 = arith.constant 0 : i32
      %cond3A_124 = arith.cmpi ne, %convert_element_type3A_122, %cond3A_123 : i32
      scf.if %cond3A_124 {
        %dma_start3A = arith.constant 0 : i32
        %dma_start3A_296 = arith.constant 0 : i32
        %dma_start3A_297 = arith.constant 0 : i32
        %dma_start3A_298 = tpu.memref_slice %arg6[%dma_start3A, %dma_start3A_296, %dma_start3A_297] : memref<7x128x128xf32, #tpu.memory_space<vmem>> -> memref<1x128x128xf32, #tpu.memory_space<vmem>>
        %dma_start3A_299 = tpu.memref_squeeze %dma_start3A_298 : memref<1x128x128xf32, #tpu.memory_space<vmem>> -> memref<128x128xf32, #tpu.memory_space<vmem>>
        %dma_start3A_300 = arith.constant 0 : i32
        %dma_start3A_301 = tpu.memref_slice %arg5[%add3A_116, %dma_start3A_300] : memref<50x128xi32, #tpu.memory_space<vmem>> -> memref<1x128xi32, #tpu.memory_space<vmem>>
        %dma_start3A_302 = tpu.memref_squeeze %dma_start3A_301 : memref<1x128xi32, #tpu.memory_space<vmem>> -> memref<128xi32, #tpu.memory_space<vmem>>
        %dma_start3A_303 = arith.constant 0 : i32
        %dma_start3A_304 = arith.constant 0 : i32
        %dma_start3A_305 = tpu.memref_slice %arg3[%dma_start3A_303, %dma_start3A_304] : memref<100000x128xf32, #tpu.memory_space<hbm>> -> memref<100000x128xf32, #tpu.memory_space<hbm>>
        tpu.enqueue_indirect_dma source(%dma_start3A_305 : memref<100000x128xf32, #tpu.memory_space<hbm>>) target(%dma_start3A_299 : memref<128x128xf32, #tpu.memory_space<vmem>>) offsets(%dma_start3A_302 : memref<128xi32, #tpu.memory_space<vmem>>) semaphore(%arg7 : memref<!tpu.dma_semaphore, #tpu.memory_space<semaphore_mem>>)
      } else {
      }
      %sub3A = arith.constant 4 : i32
      %sub3A_125 = arith.subi %add3A_116, %sub3A : i32
      %ge3A_126 = arith.constant 0 : i32
      %ge3A_127 = arith.cmpi sge, %sub3A_125, %ge3A_126 : i32
      %lt3A_128 = arith.constant 50 : i32
      %lt3A_129 = arith.cmpi slt, %sub3A_125, %lt3A_128 : i32
      %and3A_130 = arith.andi %ge3A_127, %lt3A_129 : i1
      %convert_element_type3A_131 = arith.extui %and3A_130 : i1 to i32
      %cond3A_132 = arith.constant 0 : i32
      %cond3A_133 = arith.cmpi ne, %convert_element_type3A_131, %cond3A_132 : i32
      scf.if %cond3A_133 {
        %dma_wait3A_296 = arith.constant 3 : i32
        %dma_wait3A_297 = arith.constant 0 : i32
        %dma_wait3A_298 = arith.constant 0 : i32
        %dma_wait3A_299 = tpu.memref_slice %arg6[%dma_wait3A_296, %dma_wait3A_297, %dma_wait3A_298] : memref<7x128x128xf32, #tpu.memory_space<vmem>> -> memref<1x128x128xf32, #tpu.memory_space<vmem>>
        %dma_wait3A_300 = tpu.memref_squeeze %dma_wait3A_299 : memref<1x128x128xf32, #tpu.memory_space<vmem>> -> memref<128x128xf32, #tpu.memory_space<vmem>>
        %dma_wait3A_301 = arith.constant 0 : i32
        %dma_wait3A_302 = arith.constant 0 : i32
        %dma_wait3A_303 = tpu.memref_slice %arg3[%dma_wait3A_301, %dma_wait3A_302] : memref<100000x128xf32, #tpu.memory_space<hbm>> -> memref<128x128xf32, #tpu.memory_space<hbm>>
        %dma_wait3A_304 = arith.constant 0 : i32
        %dma_wait3A_305 = arith.constant 0 : i32
        %dma_wait3A_306 = tpu.memref_slice %arg6[%dma_wait3A_296, %dma_wait3A_304, %dma_wait3A_305] : memref<7x128x128xf32, #tpu.memory_space<vmem>> -> memref<1x128x128xf32, #tpu.memory_space<vmem>>
        %dma_wait3A_307 = tpu.memref_squeeze %dma_wait3A_306 : memref<1x128x128xf32, #tpu.memory_space<vmem>> -> memref<128x128xf32, #tpu.memory_space<vmem>>
        %dma_wait3A_308 = arith.constant 0 : i32
        %dma_wait3A_309 = arith.constant 0 : i32
        %dma_wait3A_310 = tpu.memref_slice %arg3[%dma_wait3A_308, %dma_wait3A_309] : memref<100000x128xf32, #tpu.memory_space<hbm>> -> memref<128x128xf32, #tpu.memory_space<hbm>>
        tpu.wait_dma2 semaphore(%arg10 : memref<!tpu.dma_semaphore, #tpu.memory_space<semaphore_mem>>) src(%dma_wait3A_310 : memref<128x128xf32, #tpu.memory_space<hbm>>) dst(%dma_wait3A_307 : memref<128x128xf32, #tpu.memory_space<vmem>>)
        %mul3A_311 = arith.constant 128 : i32
        %mul3A_312 = arith.muli %sub3A_125, %mul3A_311 : i32
        %add3A_313 = arith.addi %mul3A_2, %mul3A_312 : i32
        %dma_start3A = arith.constant 3 : i32
        %dma_start3A_314 = arith.constant 0 : i32
        %dma_start3A_315 = arith.constant 0 : i32
        %dma_start3A_316 = tpu.memref_slice %arg6[%dma_start3A, %dma_start3A_314, %dma_start3A_315] : memref<7x128x128xf32, #tpu.memory_space<vmem>> -> memref<1x128x128xf32, #tpu.memory_space<vmem>>
        %dma_start3A_317 = tpu.memref_squeeze %dma_start3A_316 : memref<1x128x128xf32, #tpu.memory_space<vmem>> -> memref<128x128xf32, #tpu.memory_space<vmem>>
        %dma_start3A_318 = arith.constant 0 : i32
        %dma_start3A_319 = tpu.memref_slice %arg4[%add3A_313, %dma_start3A_318] : memref<204800x128xf32, #tpu.memory_space<hbm>> -> memref<128x128xf32, #tpu.memory_space<hbm>>
        %dma_start3A_320 = arith.constant 0 : i32
        %dma_start3A_321 = tpu.memref_slice %arg4[%add3A_313, %dma_start3A_320] : memref<204800x128xf32, #tpu.memory_space<hbm>> -> memref<128x128xf32, #tpu.memory_space<hbm>>
        %dma_start3A_322 = arith.constant 0 : i32
        %dma_start3A_323 = arith.constant 0 : i32
        %dma_start3A_324 = tpu.memref_slice %arg6[%dma_start3A, %dma_start3A_322, %dma_start3A_323] : memref<7x128x128xf32, #tpu.memory_space<vmem>> -> memref<1x128x128xf32, #tpu.memory_space<vmem>>
        %dma_start3A_325 = tpu.memref_squeeze %dma_start3A_324 : memref<1x128x128xf32, #tpu.memory_space<vmem>> -> memref<128x128xf32, #tpu.memory_space<vmem>>
        tpu.enqueue_dma source(%dma_start3A_325 : memref<128x128xf32, #tpu.memory_space<vmem>>) target(%dma_start3A_321 : memref<128x128xf32, #tpu.memory_space<hbm>>) target_semaphore(%arg17 : memref<!tpu.dma_semaphore, #tpu.memory_space<semaphore_mem>>)
      } else {
      }
      %mul3A_134 = arith.constant 7 : i32
      %mul3A_135 = arith.muli %scan3A_112, %mul3A_134 : i32
      %add3A_136 = arith.constant 1 : i32
      %add3A_137 = arith.addi %mul3A_135, %add3A_136 : i32
      %ge3A_138 = arith.constant 7 : i32
      %ge3A_139 = arith.cmpi sge, %add3A_137, %ge3A_138 : i32
      %lt3A_140 = arith.constant 50 : i32
      %lt3A_141 = arith.cmpi slt, %add3A_137, %lt3A_140 : i32
      %and3A_142 = arith.andi %ge3A_139, %lt3A_141 : i1
      %convert_element_type3A_143 = arith.extui %and3A_142 : i1 to i32
      %cond3A_144 = arith.constant 0 : i32
      %cond3A_145 = arith.cmpi ne, %convert_element_type3A_143, %cond3A_144 : i32
      scf.if %cond3A_145 {
        %dma_wait3A_296 = arith.constant 1 : i32
        %dma_wait3A_297 = arith.constant 0 : i32
        %dma_wait3A_298 = arith.constant 0 : i32
        %dma_wait3A_299 = tpu.memref_slice %arg6[%dma_wait3A_296, %dma_wait3A_297, %dma_wait3A_298] : memref<7x128x128xf32, #tpu.memory_space<vmem>> -> memref<1x128x128xf32, #tpu.memory_space<vmem>>
        %dma_wait3A_300 = tpu.memref_squeeze %dma_wait3A_299 : memref<1x128x128xf32, #tpu.memory_space<vmem>> -> memref<128x128xf32, #tpu.memory_space<vmem>>
        %dma_wait3A_301 = arith.constant 0 : i32
        %dma_wait3A_302 = arith.constant 0 : i32
        %dma_wait3A_303 = tpu.memref_slice %arg3[%dma_wait3A_301, %dma_wait3A_302] : memref<100000x128xf32, #tpu.memory_space<hbm>> -> memref<128x128xf32, #tpu.memory_space<hbm>>
        %dma_wait3A_304 = arith.constant 0 : i32
        %dma_wait3A_305 = arith.constant 0 : i32
        %dma_wait3A_306 = tpu.memref_slice %arg6[%dma_wait3A_296, %dma_wait3A_304, %dma_wait3A_305] : memref<7x128x128xf32, #tpu.memory_space<vmem>> -> memref<1x128x128xf32, #tpu.memory_space<vmem>>
        %dma_wait3A_307 = tpu.memref_squeeze %dma_wait3A_306 : memref<1x128x128xf32, #tpu.memory_space<vmem>> -> memref<128x128xf32, #tpu.memory_space<vmem>>
        %dma_wait3A_308 = arith.constant 0 : i32
        %dma_wait3A_309 = arith.constant 0 : i32
        %dma_wait3A_310 = tpu.memref_slice %arg3[%dma_wait3A_308, %dma_wait3A_309] : memref<100000x128xf32, #tpu.memory_space<hbm>> -> memref<128x128xf32, #tpu.memory_space<hbm>>
        tpu.wait_dma2 semaphore(%arg15 : memref<!tpu.dma_semaphore, #tpu.memory_space<semaphore_mem>>) src(%dma_wait3A_310 : memref<128x128xf32, #tpu.memory_space<hbm>>) dst(%dma_wait3A_307 : memref<128x128xf32, #tpu.memory_space<vmem>>)
      } else {
      }
      %lt3A_146 = arith.constant 50 : i32
      %lt3A_147 = arith.cmpi slt, %add3A_137, %lt3A_146 : i32
      %convert_element_type3A_148 = arith.extui %lt3A_147 : i1 to i32
      %cond3A_149 = arith.constant 0 : i32
      %cond3A_150 = arith.cmpi ne, %convert_element_type3A_148, %cond3A_149 : i32
      scf.if %cond3A_150 {
        %dma_start3A = arith.constant 1 : i32
        %dma_start3A_296 = arith.constant 0 : i32
        %dma_start3A_297 = arith.constant 0 : i32
        %dma_start3A_298 = tpu.memref_slice %arg6[%dma_start3A, %dma_start3A_296, %dma_start3A_297] : memref<7x128x128xf32, #tpu.memory_space<vmem>> -> memref<1x128x128xf32, #tpu.memory_space<vmem>>
        %dma_start3A_299 = tpu.memref_squeeze %dma_start3A_298 : memref<1x128x128xf32, #tpu.memory_space<vmem>> -> memref<128x128xf32, #tpu.memory_space<vmem>>
        %dma_start3A_300 = arith.constant 0 : i32
        %dma_start3A_301 = tpu.memref_slice %arg5[%add3A_137, %dma_start3A_300] : memref<50x128xi32, #tpu.memory_space<vmem>> -> memref<1x128xi32, #tpu.memory_space<vmem>>
        %dma_start3A_302 = tpu.memref_squeeze %dma_start3A_301 : memref<1x128xi32, #tpu.memory_space<vmem>> -> memref<128xi32, #tpu.memory_space<vmem>>
        %dma_start3A_303 = arith.constant 0 : i32
        %dma_start3A_304 = arith.constant 0 : i32
        %dma_start3A_305 = tpu.memref_slice %arg3[%dma_start3A_303, %dma_start3A_304] : memref<100000x128xf32, #tpu.memory_space<hbm>> -> memref<100000x128xf32, #tpu.memory_space<hbm>>
        tpu.enqueue_indirect_dma source(%dma_start3A_305 : memref<100000x128xf32, #tpu.memory_space<hbm>>) target(%dma_start3A_299 : memref<128x128xf32, #tpu.memory_space<vmem>>) offsets(%dma_start3A_302 : memref<128xi32, #tpu.memory_space<vmem>>) semaphore(%arg8 : memref<!tpu.dma_semaphore, #tpu.memory_space<semaphore_mem>>)
      } else {
      }
      %sub3A_151 = arith.constant 4 : i32
      %sub3A_152 = arith.subi %add3A_137, %sub3A_151 : i32
      %ge3A_153 = arith.constant 0 : i32
      %ge3A_154 = arith.cmpi sge, %sub3A_152, %ge3A_153 : i32
      %lt3A_155 = arith.constant 50 : i32
      %lt3A_156 = arith.cmpi slt, %sub3A_152, %lt3A_155 : i32
      %and3A_157 = arith.andi %ge3A_154, %lt3A_156 : i1
      %convert_element_type3A_158 = arith.extui %and3A_157 : i1 to i32
      %cond3A_159 = arith.constant 0 : i32
      %cond3A_160 = arith.cmpi ne, %convert_element_type3A_158, %cond3A_159 : i32
      scf.if %cond3A_160 {
        %dma_wait3A_296 = arith.constant 4 : i32
        %dma_wait3A_297 = arith.constant 0 : i32
        %dma_wait3A_298 = arith.constant 0 : i32
        %dma_wait3A_299 = tpu.memref_slice %arg6[%dma_wait3A_296, %dma_wait3A_297, %dma_wait3A_298] : memref<7x128x128xf32, #tpu.memory_space<vmem>> -> memref<1x128x128xf32, #tpu.memory_space<vmem>>
        %dma_wait3A_300 = tpu.memref_squeeze %dma_wait3A_299 : memref<1x128x128xf32, #tpu.memory_space<vmem>> -> memref<128x128xf32, #tpu.memory_space<vmem>>
        %dma_wait3A_301 = arith.constant 0 : i32
        %dma_wait3A_302 = arith.constant 0 : i32
        %dma_wait3A_303 = tpu.memref_slice %arg3[%dma_wait3A_301, %dma_wait3A_302] : memref<100000x128xf32, #tpu.memory_space<hbm>> -> memref<128x128xf32, #tpu.memory_space<hbm>>
        %dma_wait3A_304 = arith.constant 0 : i32
        %dma_wait3A_305 = arith.constant 0 : i32
        %dma_wait3A_306 = tpu.memref_slice %arg6[%dma_wait3A_296, %dma_wait3A_304, %dma_wait3A_305] : memref<7x128x128xf32, #tpu.memory_space<vmem>> -> memref<1x128x128xf32, #tpu.memory_space<vmem>>
        %dma_wait3A_307 = tpu.memref_squeeze %dma_wait3A_306 : memref<1x128x128xf32, #tpu.memory_space<vmem>> -> memref<128x128xf32, #tpu.memory_space<vmem>>
        %dma_wait3A_308 = arith.constant 0 : i32
        %dma_wait3A_309 = arith.constant 0 : i32
        %dma_wait3A_310 = tpu.memref_slice %arg3[%dma_wait3A_308, %dma_wait3A_309] : memref<100000x128xf32, #tpu.memory_space<hbm>> -> memref<128x128xf32, #tpu.memory_space<hbm>>
        tpu.wait_dma2 semaphore(%arg11 : memref<!tpu.dma_semaphore, #tpu.memory_space<semaphore_mem>>) src(%dma_wait3A_310 : memref<128x128xf32, #tpu.memory_space<hbm>>) dst(%dma_wait3A_307 : memref<128x128xf32, #tpu.memory_space<vmem>>)
        %mul3A_311 = arith.constant 128 : i32
        %mul3A_312 = arith.muli %sub3A_152, %mul3A_311 : i32
        %add3A_313 = arith.addi %mul3A_2, %mul3A_312 : i32
        %dma_start3A = arith.constant 4 : i32
        %dma_start3A_314 = arith.constant 0 : i32
        %dma_start3A_315 = arith.constant 0 : i32
        %dma_start3A_316 = tpu.memref_slice %arg6[%dma_start3A, %dma_start3A_314, %dma_start3A_315] : memref<7x128x128xf32, #tpu.memory_space<vmem>> -> memref<1x128x128xf32, #tpu.memory_space<vmem>>
        %dma_start3A_317 = tpu.memref_squeeze %dma_start3A_316 : memref<1x128x128xf32, #tpu.memory_space<vmem>> -> memref<128x128xf32, #tpu.memory_space<vmem>>
        %dma_start3A_318 = arith.constant 0 : i32
        %dma_start3A_319 = tpu.memref_slice %arg4[%add3A_313, %dma_start3A_318] : memref<204800x128xf32, #tpu.memory_space<hbm>> -> memref<128x128xf32, #tpu.memory_space<hbm>>
        %dma_start3A_320 = arith.constant 0 : i32
        %dma_start3A_321 = tpu.memref_slice %arg4[%add3A_313, %dma_start3A_320] : memref<204800x128xf32, #tpu.memory_space<hbm>> -> memref<128x128xf32, #tpu.memory_space<hbm>>
        %dma_start3A_322 = arith.constant 0 : i32
        %dma_start3A_323 = arith.constant 0 : i32
        %dma_start3A_324 = tpu.memref_slice %arg6[%dma_start3A, %dma_start3A_322, %dma_start3A_323] : memref<7x128x128xf32, #tpu.memory_space<vmem>> -> memref<1x128x128xf32, #tpu.memory_space<vmem>>
        %dma_start3A_325 = tpu.memref_squeeze %dma_start3A_324 : memref<1x128x128xf32, #tpu.memory_space<vmem>> -> memref<128x128xf32, #tpu.memory_space<vmem>>
        tpu.enqueue_dma source(%dma_start3A_325 : memref<128x128xf32, #tpu.memory_space<vmem>>) target(%dma_start3A_321 : memref<128x128xf32, #tpu.memory_space<hbm>>) target_semaphore(%arg18 : memref<!tpu.dma_semaphore, #tpu.memory_space<semaphore_mem>>)
      } else {
      }
      %mul3A_161 = arith.constant 7 : i32
      %mul3A_162 = arith.muli %scan3A_112, %mul3A_161 : i32
      %add3A_163 = arith.constant 2 : i32
      %add3A_164 = arith.addi %mul3A_162, %add3A_163 : i32
      %ge3A_165 = arith.constant 7 : i32
      %ge3A_166 = arith.cmpi sge, %add3A_164, %ge3A_165 : i32
      %lt3A_167 = arith.constant 50 : i32
      %lt3A_168 = arith.cmpi slt, %add3A_164, %lt3A_167 : i32
      %and3A_169 = arith.andi %ge3A_166, %lt3A_168 : i1
      %convert_element_type3A_170 = arith.extui %and3A_169 : i1 to i32
      %cond3A_171 = arith.constant 0 : i32
      %cond3A_172 = arith.cmpi ne, %convert_element_type3A_170, %cond3A_171 : i32
      scf.if %cond3A_172 {
        %dma_wait3A_296 = arith.constant 2 : i32
        %dma_wait3A_297 = arith.constant 0 : i32
        %dma_wait3A_298 = arith.constant 0 : i32
        %dma_wait3A_299 = tpu.memref_slice %arg6[%dma_wait3A_296, %dma_wait3A_297, %dma_wait3A_298] : memref<7x128x128xf32, #tpu.memory_space<vmem>> -> memref<1x128x128xf32, #tpu.memory_space<vmem>>
        %dma_wait3A_300 = tpu.memref_squeeze %dma_wait3A_299 : memref<1x128x128xf32, #tpu.memory_space<vmem>> -> memref<128x128xf32, #tpu.memory_space<vmem>>
        %dma_wait3A_301 = arith.constant 0 : i32
        %dma_wait3A_302 = arith.constant 0 : i32
        %dma_wait3A_303 = tpu.memref_slice %arg3[%dma_wait3A_301, %dma_wait3A_302] : memref<100000x128xf32, #tpu.memory_space<hbm>> -> memref<128x128xf32, #tpu.memory_space<hbm>>
        %dma_wait3A_304 = arith.constant 0 : i32
        %dma_wait3A_305 = arith.constant 0 : i32
        %dma_wait3A_306 = tpu.memref_slice %arg6[%dma_wait3A_296, %dma_wait3A_304, %dma_wait3A_305] : memref<7x128x128xf32, #tpu.memory_space<vmem>> -> memref<1x128x128xf32, #tpu.memory_space<vmem>>
        %dma_wait3A_307 = tpu.memref_squeeze %dma_wait3A_306 : memref<1x128x128xf32, #tpu.memory_space<vmem>> -> memref<128x128xf32, #tpu.memory_space<vmem>>
        %dma_wait3A_308 = arith.constant 0 : i32
        %dma_wait3A_309 = arith.constant 0 : i32
        %dma_wait3A_310 = tpu.memref_slice %arg3[%dma_wait3A_308, %dma_wait3A_309] : memref<100000x128xf32, #tpu.memory_space<hbm>> -> memref<128x128xf32, #tpu.memory_space<hbm>>
        tpu.wait_dma2 semaphore(%arg16 : memref<!tpu.dma_semaphore, #tpu.memory_space<semaphore_mem>>) src(%dma_wait3A_310 : memref<128x128xf32, #tpu.memory_space<hbm>>) dst(%dma_wait3A_307 : memref<128x128xf32, #tpu.memory_space<vmem>>)
      } else {
      }
      %lt3A_173 = arith.constant 50 : i32
      %lt3A_174 = arith.cmpi slt, %add3A_164, %lt3A_173 : i32
      %convert_element_type3A_175 = arith.extui %lt3A_174 : i1 to i32
      %cond3A_176 = arith.constant 0 : i32
      %cond3A_177 = arith.cmpi ne, %convert_element_type3A_175, %cond3A_176 : i32
      scf.if %cond3A_177 {
        %dma_start3A = arith.constant 2 : i32
        %dma_start3A_296 = arith.constant 0 : i32
        %dma_start3A_297 = arith.constant 0 : i32
        %dma_start3A_298 = tpu.memref_slice %arg6[%dma_start3A, %dma_start3A_296, %dma_start3A_297] : memref<7x128x128xf32, #tpu.memory_space<vmem>> -> memref<1x128x128xf32, #tpu.memory_space<vmem>>
        %dma_start3A_299 = tpu.memref_squeeze %dma_start3A_298 : memref<1x128x128xf32, #tpu.memory_space<vmem>> -> memref<128x128xf32, #tpu.memory_space<vmem>>
        %dma_start3A_300 = arith.constant 0 : i32
        %dma_start3A_301 = tpu.memref_slice %arg5[%add3A_164, %dma_start3A_300] : memref<50x128xi32, #tpu.memory_space<vmem>> -> memref<1x128xi32, #tpu.memory_space<vmem>>
        %dma_start3A_302 = tpu.memref_squeeze %dma_start3A_301 : memref<1x128xi32, #tpu.memory_space<vmem>> -> memref<128xi32, #tpu.memory_space<vmem>>
        %dma_start3A_303 = arith.constant 0 : i32
        %dma_start3A_304 = arith.constant 0 : i32
        %dma_start3A_305 = tpu.memref_slice %arg3[%dma_start3A_303, %dma_start3A_304] : memref<100000x128xf32, #tpu.memory_space<hbm>> -> memref<100000x128xf32, #tpu.memory_space<hbm>>
        tpu.enqueue_indirect_dma source(%dma_start3A_305 : memref<100000x128xf32, #tpu.memory_space<hbm>>) target(%dma_start3A_299 : memref<128x128xf32, #tpu.memory_space<vmem>>) offsets(%dma_start3A_302 : memref<128xi32, #tpu.memory_space<vmem>>) semaphore(%arg9 : memref<!tpu.dma_semaphore, #tpu.memory_space<semaphore_mem>>)
      } else {
      }
      %sub3A_178 = arith.constant 4 : i32
      %sub3A_179 = arith.subi %add3A_164, %sub3A_178 : i32
      %ge3A_180 = arith.constant 0 : i32
      %ge3A_181 = arith.cmpi sge, %sub3A_179, %ge3A_180 : i32
      %lt3A_182 = arith.constant 50 : i32
      %lt3A_183 = arith.cmpi slt, %sub3A_179, %lt3A_182 : i32
      %and3A_184 = arith.andi %ge3A_181, %lt3A_183 : i1
      %convert_element_type3A_185 = arith.extui %and3A_184 : i1 to i32
      %cond3A_186 = arith.constant 0 : i32
      %cond3A_187 = arith.cmpi ne, %convert_element_type3A_185, %cond3A_186 : i32
      scf.if %cond3A_187 {
        %dma_wait3A_296 = arith.constant 5 : i32
        %dma_wait3A_297 = arith.constant 0 : i32
        %dma_wait3A_298 = arith.constant 0 : i32
        %dma_wait3A_299 = tpu.memref_slice %arg6[%dma_wait3A_296, %dma_wait3A_297, %dma_wait3A_298] : memref<7x128x128xf32, #tpu.memory_space<vmem>> -> memref<1x128x128xf32, #tpu.memory_space<vmem>>
        %dma_wait3A_300 = tpu.memref_squeeze %dma_wait3A_299 : memref<1x128x128xf32, #tpu.memory_space<vmem>> -> memref<128x128xf32, #tpu.memory_space<vmem>>
        %dma_wait3A_301 = arith.constant 0 : i32
        %dma_wait3A_302 = arith.constant 0 : i32
        %dma_wait3A_303 = tpu.memref_slice %arg3[%dma_wait3A_301, %dma_wait3A_302] : memref<100000x128xf32, #tpu.memory_space<hbm>> -> memref<128x128xf32, #tpu.memory_space<hbm>>
        %dma_wait3A_304 = arith.constant 0 : i32
        %dma_wait3A_305 = arith.constant 0 : i32
        %dma_wait3A_306 = tpu.memref_slice %arg6[%dma_wait3A_296, %dma_wait3A_304, %dma_wait3A_305] : memref<7x128x128xf32, #tpu.memory_space<vmem>> -> memref<1x128x128xf32, #tpu.memory_space<vmem>>
        %dma_wait3A_307 = tpu.memref_squeeze %dma_wait3A_306 : memref<1x128x128xf32, #tpu.memory_space<vmem>> -> memref<128x128xf32, #tpu.memory_space<vmem>>
        %dma_wait3A_308 = arith.constant 0 : i32
        %dma_wait3A_309 = arith.constant 0 : i32
        %dma_wait3A_310 = tpu.memref_slice %arg3[%dma_wait3A_308, %dma_wait3A_309] : memref<100000x128xf32, #tpu.memory_space<hbm>> -> memref<128x128xf32, #tpu.memory_space<hbm>>
        tpu.wait_dma2 semaphore(%arg12 : memref<!tpu.dma_semaphore, #tpu.memory_space<semaphore_mem>>) src(%dma_wait3A_310 : memref<128x128xf32, #tpu.memory_space<hbm>>) dst(%dma_wait3A_307 : memref<128x128xf32, #tpu.memory_space<vmem>>)
        %mul3A_311 = arith.constant 128 : i32
        %mul3A_312 = arith.muli %sub3A_179, %mul3A_311 : i32
        %add3A_313 = arith.addi %mul3A_2, %mul3A_312 : i32
        %dma_start3A = arith.constant 5 : i32
        %dma_start3A_314 = arith.constant 0 : i32
        %dma_start3A_315 = arith.constant 0 : i32
        %dma_start3A_316 = tpu.memref_slice %arg6[%dma_start3A, %dma_start3A_314, %dma_start3A_315] : memref<7x128x128xf32, #tpu.memory_space<vmem>> -> memref<1x128x128xf32, #tpu.memory_space<vmem>>
        %dma_start3A_317 = tpu.memref_squeeze %dma_start3A_316 : memref<1x128x128xf32, #tpu.memory_space<vmem>> -> memref<128x128xf32, #tpu.memory_space<vmem>>
        %dma_start3A_318 = arith.constant 0 : i32
        %dma_start3A_319 = tpu.memref_slice %arg4[%add3A_313, %dma_start3A_318] : memref<204800x128xf32, #tpu.memory_space<hbm>> -> memref<128x128xf32, #tpu.memory_space<hbm>>
        %dma_start3A_320 = arith.constant 0 : i32
        %dma_start3A_321 = tpu.memref_slice %arg4[%add3A_313, %dma_start3A_320] : memref<204800x128xf32, #tpu.memory_space<hbm>> -> memref<128x128xf32, #tpu.memory_space<hbm>>
        %dma_start3A_322 = arith.constant 0 : i32
        %dma_start3A_323 = arith.constant 0 : i32
        %dma_start3A_324 = tpu.memref_slice %arg6[%dma_start3A, %dma_start3A_322, %dma_start3A_323] : memref<7x128x128xf32, #tpu.memory_space<vmem>> -> memref<1x128x128xf32, #tpu.memory_space<vmem>>
        %dma_start3A_325 = tpu.memref_squeeze %dma_start3A_324 : memref<1x128x128xf32, #tpu.memory_space<vmem>> -> memref<128x128xf32, #tpu.memory_space<vmem>>
        tpu.enqueue_dma source(%dma_start3A_325 : memref<128x128xf32, #tpu.memory_space<vmem>>) target(%dma_start3A_321 : memref<128x128xf32, #tpu.memory_space<hbm>>) target_semaphore(%arg19 : memref<!tpu.dma_semaphore, #tpu.memory_space<semaphore_mem>>)
      } else {
      }
      %mul3A_188 = arith.constant 7 : i32
      %mul3A_189 = arith.muli %scan3A_112, %mul3A_188 : i32
      %add3A_190 = arith.constant 3 : i32
      %add3A_191 = arith.addi %mul3A_189, %add3A_190 : i32
      %ge3A_192 = arith.constant 7 : i32
      %ge3A_193 = arith.cmpi sge, %add3A_191, %ge3A_192 : i32
      %lt3A_194 = arith.constant 50 : i32
      %lt3A_195 = arith.cmpi slt, %add3A_191, %lt3A_194 : i32
      %and3A_196 = arith.andi %ge3A_193, %lt3A_195 : i1
      %convert_element_type3A_197 = arith.extui %and3A_196 : i1 to i32
      %cond3A_198 = arith.constant 0 : i32
      %cond3A_199 = arith.cmpi ne, %convert_element_type3A_197, %cond3A_198 : i32
      scf.if %cond3A_199 {
        %dma_wait3A_296 = arith.constant 3 : i32
        %dma_wait3A_297 = arith.constant 0 : i32
        %dma_wait3A_298 = arith.constant 0 : i32
        %dma_wait3A_299 = tpu.memref_slice %arg6[%dma_wait3A_296, %dma_wait3A_297, %dma_wait3A_298] : memref<7x128x128xf32, #tpu.memory_space<vmem>> -> memref<1x128x128xf32, #tpu.memory_space<vmem>>
        %dma_wait3A_300 = tpu.memref_squeeze %dma_wait3A_299 : memref<1x128x128xf32, #tpu.memory_space<vmem>> -> memref<128x128xf32, #tpu.memory_space<vmem>>
        %dma_wait3A_301 = arith.constant 0 : i32
        %dma_wait3A_302 = arith.constant 0 : i32
        %dma_wait3A_303 = tpu.memref_slice %arg3[%dma_wait3A_301, %dma_wait3A_302] : memref<100000x128xf32, #tpu.memory_space<hbm>> -> memref<128x128xf32, #tpu.memory_space<hbm>>
        %dma_wait3A_304 = arith.constant 0 : i32
        %dma_wait3A_305 = arith.constant 0 : i32
        %dma_wait3A_306 = tpu.memref_slice %arg6[%dma_wait3A_296, %dma_wait3A_304, %dma_wait3A_305] : memref<7x128x128xf32, #tpu.memory_space<vmem>> -> memref<1x128x128xf32, #tpu.memory_space<vmem>>
        %dma_wait3A_307 = tpu.memref_squeeze %dma_wait3A_306 : memref<1x128x128xf32, #tpu.memory_space<vmem>> -> memref<128x128xf32, #tpu.memory_space<vmem>>
        %dma_wait3A_308 = arith.constant 0 : i32
        %dma_wait3A_309 = arith.constant 0 : i32
        %dma_wait3A_310 = tpu.memref_slice %arg3[%dma_wait3A_308, %dma_wait3A_309] : memref<100000x128xf32, #tpu.memory_space<hbm>> -> memref<128x128xf32, #tpu.memory_space<hbm>>
        tpu.wait_dma2 semaphore(%arg17 : memref<!tpu.dma_semaphore, #tpu.memory_space<semaphore_mem>>) src(%dma_wait3A_310 : memref<128x128xf32, #tpu.memory_space<hbm>>) dst(%dma_wait3A_307 : memref<128x128xf32, #tpu.memory_space<vmem>>)
      } else {
      }
      %lt3A_200 = arith.constant 50 : i32
      %lt3A_201 = arith.cmpi slt, %add3A_191, %lt3A_200 : i32
      %convert_element_type3A_202 = arith.extui %lt3A_201 : i1 to i32
      %cond3A_203 = arith.constant 0 : i32
      %cond3A_204 = arith.cmpi ne, %convert_element_type3A_202, %cond3A_203 : i32
      scf.if %cond3A_204 {
        %dma_start3A = arith.constant 3 : i32
        %dma_start3A_296 = arith.constant 0 : i32
        %dma_start3A_297 = arith.constant 0 : i32
        %dma_start3A_298 = tpu.memref_slice %arg6[%dma_start3A, %dma_start3A_296, %dma_start3A_297] : memref<7x128x128xf32, #tpu.memory_space<vmem>> -> memref<1x128x128xf32, #tpu.memory_space<vmem>>
        %dma_start3A_299 = tpu.memref_squeeze %dma_start3A_298 : memref<1x128x128xf32, #tpu.memory_space<vmem>> -> memref<128x128xf32, #tpu.memory_space<vmem>>
        %dma_start3A_300 = arith.constant 0 : i32
        %dma_start3A_301 = tpu.memref_slice %arg5[%add3A_191, %dma_start3A_300] : memref<50x128xi32, #tpu.memory_space<vmem>> -> memref<1x128xi32, #tpu.memory_space<vmem>>
        %dma_start3A_302 = tpu.memref_squeeze %dma_start3A_301 : memref<1x128xi32, #tpu.memory_space<vmem>> -> memref<128xi32, #tpu.memory_space<vmem>>
        %dma_start3A_303 = arith.constant 0 : i32
        %dma_start3A_304 = arith.constant 0 : i32
        %dma_start3A_305 = tpu.memref_slice %arg3[%dma_start3A_303, %dma_start3A_304] : memref<100000x128xf32, #tpu.memory_space<hbm>> -> memref<100000x128xf32, #tpu.memory_space<hbm>>
        tpu.enqueue_indirect_dma source(%dma_start3A_305 : memref<100000x128xf32, #tpu.memory_space<hbm>>) target(%dma_start3A_299 : memref<128x128xf32, #tpu.memory_space<vmem>>) offsets(%dma_start3A_302 : memref<128xi32, #tpu.memory_space<vmem>>) semaphore(%arg10 : memref<!tpu.dma_semaphore, #tpu.memory_space<semaphore_mem>>)
      } else {
      }
      %sub3A_205 = arith.constant 4 : i32
      %sub3A_206 = arith.subi %add3A_191, %sub3A_205 : i32
      %ge3A_207 = arith.constant 0 : i32
      %ge3A_208 = arith.cmpi sge, %sub3A_206, %ge3A_207 : i32
      %lt3A_209 = arith.constant 50 : i32
      %lt3A_210 = arith.cmpi slt, %sub3A_206, %lt3A_209 : i32
      %and3A_211 = arith.andi %ge3A_208, %lt3A_210 : i1
      %convert_element_type3A_212 = arith.extui %and3A_211 : i1 to i32
      %cond3A_213 = arith.constant 0 : i32
      %cond3A_214 = arith.cmpi ne, %convert_element_type3A_212, %cond3A_213 : i32
      scf.if %cond3A_214 {
        %dma_wait3A_296 = arith.constant 6 : i32
        %dma_wait3A_297 = arith.constant 0 : i32
        %dma_wait3A_298 = arith.constant 0 : i32
        %dma_wait3A_299 = tpu.memref_slice %arg6[%dma_wait3A_296, %dma_wait3A_297, %dma_wait3A_298] : memref<7x128x128xf32, #tpu.memory_space<vmem>> -> memref<1x128x128xf32, #tpu.memory_space<vmem>>
        %dma_wait3A_300 = tpu.memref_squeeze %dma_wait3A_299 : memref<1x128x128xf32, #tpu.memory_space<vmem>> -> memref<128x128xf32, #tpu.memory_space<vmem>>
        %dma_wait3A_301 = arith.constant 0 : i32
        %dma_wait3A_302 = arith.constant 0 : i32
        %dma_wait3A_303 = tpu.memref_slice %arg3[%dma_wait3A_301, %dma_wait3A_302] : memref<100000x128xf32, #tpu.memory_space<hbm>> -> memref<128x128xf32, #tpu.memory_space<hbm>>
        %dma_wait3A_304 = arith.constant 0 : i32
        %dma_wait3A_305 = arith.constant 0 : i32
        %dma_wait3A_306 = tpu.memref_slice %arg6[%dma_wait3A_296, %dma_wait3A_304, %dma_wait3A_305] : memref<7x128x128xf32, #tpu.memory_space<vmem>> -> memref<1x128x128xf32, #tpu.memory_space<vmem>>
        %dma_wait3A_307 = tpu.memref_squeeze %dma_wait3A_306 : memref<1x128x128xf32, #tpu.memory_space<vmem>> -> memref<128x128xf32, #tpu.memory_space<vmem>>
        %dma_wait3A_308 = arith.constant 0 : i32
        %dma_wait3A_309 = arith.constant 0 : i32
        %dma_wait3A_310 = tpu.memref_slice %arg3[%dma_wait3A_308, %dma_wait3A_309] : memref<100000x128xf32, #tpu.memory_space<hbm>> -> memref<128x128xf32, #tpu.memory_space<hbm>>
        tpu.wait_dma2 semaphore(%arg13 : memref<!tpu.dma_semaphore, #tpu.memory_space<semaphore_mem>>) src(%dma_wait3A_310 : memref<128x128xf32, #tpu.memory_space<hbm>>) dst(%dma_wait3A_307 : memref<128x128xf32, #tpu.memory_space<vmem>>)
        %mul3A_311 = arith.constant 128 : i32
        %mul3A_312 = arith.muli %sub3A_206, %mul3A_311 : i32
        %add3A_313 = arith.addi %mul3A_2, %mul3A_312 : i32
        %dma_start3A = arith.constant 6 : i32
        %dma_start3A_314 = arith.constant 0 : i32
        %dma_start3A_315 = arith.constant 0 : i32
        %dma_start3A_316 = tpu.memref_slice %arg6[%dma_start3A, %dma_start3A_314, %dma_start3A_315] : memref<7x128x128xf32, #tpu.memory_space<vmem>> -> memref<1x128x128xf32, #tpu.memory_space<vmem>>
        %dma_start3A_317 = tpu.memref_squeeze %dma_start3A_316 : memref<1x128x128xf32, #tpu.memory_space<vmem>> -> memref<128x128xf32, #tpu.memory_space<vmem>>
        %dma_start3A_318 = arith.constant 0 : i32
        %dma_start3A_319 = tpu.memref_slice %arg4[%add3A_313, %dma_start3A_318] : memref<204800x128xf32, #tpu.memory_space<hbm>> -> memref<128x128xf32, #tpu.memory_space<hbm>>
        %dma_start3A_320 = arith.constant 0 : i32
        %dma_start3A_321 = tpu.memref_slice %arg4[%add3A_313, %dma_start3A_320] : memref<204800x128xf32, #tpu.memory_space<hbm>> -> memref<128x128xf32, #tpu.memory_space<hbm>>
        %dma_start3A_322 = arith.constant 0 : i32
        %dma_start3A_323 = arith.constant 0 : i32
        %dma_start3A_324 = tpu.memref_slice %arg6[%dma_start3A, %dma_start3A_322, %dma_start3A_323] : memref<7x128x128xf32, #tpu.memory_space<vmem>> -> memref<1x128x128xf32, #tpu.memory_space<vmem>>
        %dma_start3A_325 = tpu.memref_squeeze %dma_start3A_324 : memref<1x128x128xf32, #tpu.memory_space<vmem>> -> memref<128x128xf32, #tpu.memory_space<vmem>>
        tpu.enqueue_dma source(%dma_start3A_325 : memref<128x128xf32, #tpu.memory_space<vmem>>) target(%dma_start3A_321 : memref<128x128xf32, #tpu.memory_space<hbm>>) target_semaphore(%arg20 : memref<!tpu.dma_semaphore, #tpu.memory_space<semaphore_mem>>)
      } else {
      }
      %mul3A_215 = arith.constant 7 : i32
      %mul3A_216 = arith.muli %scan3A_112, %mul3A_215 : i32
      %add3A_217 = arith.constant 4 : i32
      %add3A_218 = arith.addi %mul3A_216, %add3A_217 : i32
      %ge3A_219 = arith.constant 7 : i32
      %ge3A_220 = arith.cmpi sge, %add3A_218, %ge3A_219 : i32
      %lt3A_221 = arith.constant 50 : i32
      %lt3A_222 = arith.cmpi slt, %add3A_218, %lt3A_221 : i32
      %and3A_223 = arith.andi %ge3A_220, %lt3A_222 : i1
      %convert_element_type3A_224 = arith.extui %and3A_223 : i1 to i32
      %cond3A_225 = arith.constant 0 : i32
      %cond3A_226 = arith.cmpi ne, %convert_element_type3A_224, %cond3A_225 : i32
      scf.if %cond3A_226 {
        %dma_wait3A_296 = arith.constant 4 : i32
        %dma_wait3A_297 = arith.constant 0 : i32
        %dma_wait3A_298 = arith.constant 0 : i32
        %dma_wait3A_299 = tpu.memref_slice %arg6[%dma_wait3A_296, %dma_wait3A_297, %dma_wait3A_298] : memref<7x128x128xf32, #tpu.memory_space<vmem>> -> memref<1x128x128xf32, #tpu.memory_space<vmem>>
        %dma_wait3A_300 = tpu.memref_squeeze %dma_wait3A_299 : memref<1x128x128xf32, #tpu.memory_space<vmem>> -> memref<128x128xf32, #tpu.memory_space<vmem>>
        %dma_wait3A_301 = arith.constant 0 : i32
        %dma_wait3A_302 = arith.constant 0 : i32
        %dma_wait3A_303 = tpu.memref_slice %arg3[%dma_wait3A_301, %dma_wait3A_302] : memref<100000x128xf32, #tpu.memory_space<hbm>> -> memref<128x128xf32, #tpu.memory_space<hbm>>
        %dma_wait3A_304 = arith.constant 0 : i32
        %dma_wait3A_305 = arith.constant 0 : i32
        %dma_wait3A_306 = tpu.memref_slice %arg6[%dma_wait3A_296, %dma_wait3A_304, %dma_wait3A_305] : memref<7x128x128xf32, #tpu.memory_space<vmem>> -> memref<1x128x128xf32, #tpu.memory_space<vmem>>
        %dma_wait3A_307 = tpu.memref_squeeze %dma_wait3A_306 : memref<1x128x128xf32, #tpu.memory_space<vmem>> -> memref<128x128xf32, #tpu.memory_space<vmem>>
        %dma_wait3A_308 = arith.constant 0 : i32
        %dma_wait3A_309 = arith.constant 0 : i32
        %dma_wait3A_310 = tpu.memref_slice %arg3[%dma_wait3A_308, %dma_wait3A_309] : memref<100000x128xf32, #tpu.memory_space<hbm>> -> memref<128x128xf32, #tpu.memory_space<hbm>>
        tpu.wait_dma2 semaphore(%arg18 : memref<!tpu.dma_semaphore, #tpu.memory_space<semaphore_mem>>) src(%dma_wait3A_310 : memref<128x128xf32, #tpu.memory_space<hbm>>) dst(%dma_wait3A_307 : memref<128x128xf32, #tpu.memory_space<vmem>>)
      } else {
      }
      %lt3A_227 = arith.constant 50 : i32
      %lt3A_228 = arith.cmpi slt, %add3A_218, %lt3A_227 : i32
      %convert_element_type3A_229 = arith.extui %lt3A_228 : i1 to i32
      %cond3A_230 = arith.constant 0 : i32
      %cond3A_231 = arith.cmpi ne, %convert_element_type3A_229, %cond3A_230 : i32
      scf.if %cond3A_231 {
        %dma_start3A = arith.constant 4 : i32
        %dma_start3A_296 = arith.constant 0 : i32
        %dma_start3A_297 = arith.constant 0 : i32
        %dma_start3A_298 = tpu.memref_slice %arg6[%dma_start3A, %dma_start3A_296, %dma_start3A_297] : memref<7x128x128xf32, #tpu.memory_space<vmem>> -> memref<1x128x128xf32, #tpu.memory_space<vmem>>
        %dma_start3A_299 = tpu.memref_squeeze %dma_start3A_298 : memref<1x128x128xf32, #tpu.memory_space<vmem>> -> memref<128x128xf32, #tpu.memory_space<vmem>>
        %dma_start3A_300 = arith.constant 0 : i32
        %dma_start3A_301 = tpu.memref_slice %arg5[%add3A_218, %dma_start3A_300] : memref<50x128xi32, #tpu.memory_space<vmem>> -> memref<1x128xi32, #tpu.memory_space<vmem>>
        %dma_start3A_302 = tpu.memref_squeeze %dma_start3A_301 : memref<1x128xi32, #tpu.memory_space<vmem>> -> memref<128xi32, #tpu.memory_space<vmem>>
        %dma_start3A_303 = arith.constant 0 : i32
        %dma_start3A_304 = arith.constant 0 : i32
        %dma_start3A_305 = tpu.memref_slice %arg3[%dma_start3A_303, %dma_start3A_304] : memref<100000x128xf32, #tpu.memory_space<hbm>> -> memref<100000x128xf32, #tpu.memory_space<hbm>>
        tpu.enqueue_indirect_dma source(%dma_start3A_305 : memref<100000x128xf32, #tpu.memory_space<hbm>>) target(%dma_start3A_299 : memref<128x128xf32, #tpu.memory_space<vmem>>) offsets(%dma_start3A_302 : memref<128xi32, #tpu.memory_space<vmem>>) semaphore(%arg11 : memref<!tpu.dma_semaphore, #tpu.memory_space<semaphore_mem>>)
      } else {
      }
      %sub3A_232 = arith.constant 4 : i32
      %sub3A_233 = arith.subi %add3A_218, %sub3A_232 : i32
      %ge3A_234 = arith.constant 0 : i32
      %ge3A_235 = arith.cmpi sge, %sub3A_233, %ge3A_234 : i32
      %lt3A_236 = arith.constant 50 : i32
      %lt3A_237 = arith.cmpi slt, %sub3A_233, %lt3A_236 : i32
      %and3A_238 = arith.andi %ge3A_235, %lt3A_237 : i1
      %convert_element_type3A_239 = arith.extui %and3A_238 : i1 to i32
      %cond3A_240 = arith.constant 0 : i32
      %cond3A_241 = arith.cmpi ne, %convert_element_type3A_239, %cond3A_240 : i32
      scf.if %cond3A_241 {
        %dma_wait3A_296 = arith.constant 0 : i32
        %dma_wait3A_297 = arith.constant 0 : i32
        %dma_wait3A_298 = arith.constant 0 : i32
        %dma_wait3A_299 = tpu.memref_slice %arg6[%dma_wait3A_296, %dma_wait3A_297, %dma_wait3A_298] : memref<7x128x128xf32, #tpu.memory_space<vmem>> -> memref<1x128x128xf32, #tpu.memory_space<vmem>>
        %dma_wait3A_300 = tpu.memref_squeeze %dma_wait3A_299 : memref<1x128x128xf32, #tpu.memory_space<vmem>> -> memref<128x128xf32, #tpu.memory_space<vmem>>
        %dma_wait3A_301 = arith.constant 0 : i32
        %dma_wait3A_302 = arith.constant 0 : i32
        %dma_wait3A_303 = tpu.memref_slice %arg3[%dma_wait3A_301, %dma_wait3A_302] : memref<100000x128xf32, #tpu.memory_space<hbm>> -> memref<128x128xf32, #tpu.memory_space<hbm>>
        %dma_wait3A_304 = arith.constant 0 : i32
        %dma_wait3A_305 = arith.constant 0 : i32
        %dma_wait3A_306 = tpu.memref_slice %arg6[%dma_wait3A_296, %dma_wait3A_304, %dma_wait3A_305] : memref<7x128x128xf32, #tpu.memory_space<vmem>> -> memref<1x128x128xf32, #tpu.memory_space<vmem>>
        %dma_wait3A_307 = tpu.memref_squeeze %dma_wait3A_306 : memref<1x128x128xf32, #tpu.memory_space<vmem>> -> memref<128x128xf32, #tpu.memory_space<vmem>>
        %dma_wait3A_308 = arith.constant 0 : i32
        %dma_wait3A_309 = arith.constant 0 : i32
        %dma_wait3A_310 = tpu.memref_slice %arg3[%dma_wait3A_308, %dma_wait3A_309] : memref<100000x128xf32, #tpu.memory_space<hbm>> -> memref<128x128xf32, #tpu.memory_space<hbm>>
        tpu.wait_dma2 semaphore(%arg7 : memref<!tpu.dma_semaphore, #tpu.memory_space<semaphore_mem>>) src(%dma_wait3A_310 : memref<128x128xf32, #tpu.memory_space<hbm>>) dst(%dma_wait3A_307 : memref<128x128xf32, #tpu.memory_space<vmem>>)
        %mul3A_311 = arith.constant 128 : i32
        %mul3A_312 = arith.muli %sub3A_233, %mul3A_311 : i32
        %add3A_313 = arith.addi %mul3A_2, %mul3A_312 : i32
        %dma_start3A = arith.constant 0 : i32
        %dma_start3A_314 = arith.constant 0 : i32
        %dma_start3A_315 = arith.constant 0 : i32
        %dma_start3A_316 = tpu.memref_slice %arg6[%dma_start3A, %dma_start3A_314, %dma_start3A_315] : memref<7x128x128xf32, #tpu.memory_space<vmem>> -> memref<1x128x128xf32, #tpu.memory_space<vmem>>
        %dma_start3A_317 = tpu.memref_squeeze %dma_start3A_316 : memref<1x128x128xf32, #tpu.memory_space<vmem>> -> memref<128x128xf32, #tpu.memory_space<vmem>>
        %dma_start3A_318 = arith.constant 0 : i32
        %dma_start3A_319 = tpu.memref_slice %arg4[%add3A_313, %dma_start3A_318] : memref<204800x128xf32, #tpu.memory_space<hbm>> -> memref<128x128xf32, #tpu.memory_space<hbm>>
        %dma_start3A_320 = arith.constant 0 : i32
        %dma_start3A_321 = tpu.memref_slice %arg4[%add3A_313, %dma_start3A_320] : memref<204800x128xf32, #tpu.memory_space<hbm>> -> memref<128x128xf32, #tpu.memory_space<hbm>>
        %dma_start3A_322 = arith.constant 0 : i32
        %dma_start3A_323 = arith.constant 0 : i32
        %dma_start3A_324 = tpu.memref_slice %arg6[%dma_start3A, %dma_start3A_322, %dma_start3A_323] : memref<7x128x128xf32, #tpu.memory_space<vmem>> -> memref<1x128x128xf32, #tpu.memory_space<vmem>>
        %dma_start3A_325 = tpu.memref_squeeze %dma_start3A_324 : memref<1x128x128xf32, #tpu.memory_space<vmem>> -> memref<128x128xf32, #tpu.memory_space<vmem>>
        tpu.enqueue_dma source(%dma_start3A_325 : memref<128x128xf32, #tpu.memory_space<vmem>>) target(%dma_start3A_321 : memref<128x128xf32, #tpu.memory_space<hbm>>) target_semaphore(%arg14 : memref<!tpu.dma_semaphore, #tpu.memory_space<semaphore_mem>>)
      } else {
      }
      %mul3A_242 = arith.constant 7 : i32
      %mul3A_243 = arith.muli %scan3A_112, %mul3A_242 : i32
      %add3A_244 = arith.constant 5 : i32
      %add3A_245 = arith.addi %mul3A_243, %add3A_244 : i32
      %ge3A_246 = arith.constant 7 : i32
      %ge3A_247 = arith.cmpi sge, %add3A_245, %ge3A_246 : i32
      %lt3A_248 = arith.constant 50 : i32
      %lt3A_249 = arith.cmpi slt, %add3A_245, %lt3A_248 : i32
      %and3A_250 = arith.andi %ge3A_247, %lt3A_249 : i1
      %convert_element_type3A_251 = arith.extui %and3A_250 : i1 to i32
      %cond3A_252 = arith.constant 0 : i32
      %cond3A_253 = arith.cmpi ne, %convert_element_type3A_251, %cond3A_252 : i32
      scf.if %cond3A_253 {
        %dma_wait3A_296 = arith.constant 5 : i32
        %dma_wait3A_297 = arith.constant 0 : i32
        %dma_wait3A_298 = arith.constant 0 : i32
        %dma_wait3A_299 = tpu.memref_slice %arg6[%dma_wait3A_296, %dma_wait3A_297, %dma_wait3A_298] : memref<7x128x128xf32, #tpu.memory_space<vmem>> -> memref<1x128x128xf32, #tpu.memory_space<vmem>>
        %dma_wait3A_300 = tpu.memref_squeeze %dma_wait3A_299 : memref<1x128x128xf32, #tpu.memory_space<vmem>> -> memref<128x128xf32, #tpu.memory_space<vmem>>
        %dma_wait3A_301 = arith.constant 0 : i32
        %dma_wait3A_302 = arith.constant 0 : i32
        %dma_wait3A_303 = tpu.memref_slice %arg3[%dma_wait3A_301, %dma_wait3A_302] : memref<100000x128xf32, #tpu.memory_space<hbm>> -> memref<128x128xf32, #tpu.memory_space<hbm>>
        %dma_wait3A_304 = arith.constant 0 : i32
        %dma_wait3A_305 = arith.constant 0 : i32
        %dma_wait3A_306 = tpu.memref_slice %arg6[%dma_wait3A_296, %dma_wait3A_304, %dma_wait3A_305] : memref<7x128x128xf32, #tpu.memory_space<vmem>> -> memref<1x128x128xf32, #tpu.memory_space<vmem>>
        %dma_wait3A_307 = tpu.memref_squeeze %dma_wait3A_306 : memref<1x128x128xf32, #tpu.memory_space<vmem>> -> memref<128x128xf32, #tpu.memory_space<vmem>>
        %dma_wait3A_308 = arith.constant 0 : i32
        %dma_wait3A_309 = arith.constant 0 : i32
        %dma_wait3A_310 = tpu.memref_slice %arg3[%dma_wait3A_308, %dma_wait3A_309] : memref<100000x128xf32, #tpu.memory_space<hbm>> -> memref<128x128xf32, #tpu.memory_space<hbm>>
        tpu.wait_dma2 semaphore(%arg19 : memref<!tpu.dma_semaphore, #tpu.memory_space<semaphore_mem>>) src(%dma_wait3A_310 : memref<128x128xf32, #tpu.memory_space<hbm>>) dst(%dma_wait3A_307 : memref<128x128xf32, #tpu.memory_space<vmem>>)
      } else {
      }
      %lt3A_254 = arith.constant 50 : i32
      %lt3A_255 = arith.cmpi slt, %add3A_245, %lt3A_254 : i32
      %convert_element_type3A_256 = arith.extui %lt3A_255 : i1 to i32
      %cond3A_257 = arith.constant 0 : i32
      %cond3A_258 = arith.cmpi ne, %convert_element_type3A_256, %cond3A_257 : i32
      scf.if %cond3A_258 {
        %dma_start3A = arith.constant 5 : i32
        %dma_start3A_296 = arith.constant 0 : i32
        %dma_start3A_297 = arith.constant 0 : i32
        %dma_start3A_298 = tpu.memref_slice %arg6[%dma_start3A, %dma_start3A_296, %dma_start3A_297] : memref<7x128x128xf32, #tpu.memory_space<vmem>> -> memref<1x128x128xf32, #tpu.memory_space<vmem>>
        %dma_start3A_299 = tpu.memref_squeeze %dma_start3A_298 : memref<1x128x128xf32, #tpu.memory_space<vmem>> -> memref<128x128xf32, #tpu.memory_space<vmem>>
        %dma_start3A_300 = arith.constant 0 : i32
        %dma_start3A_301 = tpu.memref_slice %arg5[%add3A_245, %dma_start3A_300] : memref<50x128xi32, #tpu.memory_space<vmem>> -> memref<1x128xi32, #tpu.memory_space<vmem>>
        %dma_start3A_302 = tpu.memref_squeeze %dma_start3A_301 : memref<1x128xi32, #tpu.memory_space<vmem>> -> memref<128xi32, #tpu.memory_space<vmem>>
        %dma_start3A_303 = arith.constant 0 : i32
        %dma_start3A_304 = arith.constant 0 : i32
        %dma_start3A_305 = tpu.memref_slice %arg3[%dma_start3A_303, %dma_start3A_304] : memref<100000x128xf32, #tpu.memory_space<hbm>> -> memref<100000x128xf32, #tpu.memory_space<hbm>>
        tpu.enqueue_indirect_dma source(%dma_start3A_305 : memref<100000x128xf32, #tpu.memory_space<hbm>>) target(%dma_start3A_299 : memref<128x128xf32, #tpu.memory_space<vmem>>) offsets(%dma_start3A_302 : memref<128xi32, #tpu.memory_space<vmem>>) semaphore(%arg12 : memref<!tpu.dma_semaphore, #tpu.memory_space<semaphore_mem>>)
      } else {
      }
      %sub3A_259 = arith.constant 4 : i32
      %sub3A_260 = arith.subi %add3A_245, %sub3A_259 : i32
      %ge3A_261 = arith.constant 0 : i32
      %ge3A_262 = arith.cmpi sge, %sub3A_260, %ge3A_261 : i32
      %lt3A_263 = arith.constant 50 : i32
      %lt3A_264 = arith.cmpi slt, %sub3A_260, %lt3A_263 : i32
      %and3A_265 = arith.andi %ge3A_262, %lt3A_264 : i1
      %convert_element_type3A_266 = arith.extui %and3A_265 : i1 to i32
      %cond3A_267 = arith.constant 0 : i32
      %cond3A_268 = arith.cmpi ne, %convert_element_type3A_266, %cond3A_267 : i32
      scf.if %cond3A_268 {
        %dma_wait3A_296 = arith.constant 1 : i32
        %dma_wait3A_297 = arith.constant 0 : i32
        %dma_wait3A_298 = arith.constant 0 : i32
        %dma_wait3A_299 = tpu.memref_slice %arg6[%dma_wait3A_296, %dma_wait3A_297, %dma_wait3A_298] : memref<7x128x128xf32, #tpu.memory_space<vmem>> -> memref<1x128x128xf32, #tpu.memory_space<vmem>>
        %dma_wait3A_300 = tpu.memref_squeeze %dma_wait3A_299 : memref<1x128x128xf32, #tpu.memory_space<vmem>> -> memref<128x128xf32, #tpu.memory_space<vmem>>
        %dma_wait3A_301 = arith.constant 0 : i32
        %dma_wait3A_302 = arith.constant 0 : i32
        %dma_wait3A_303 = tpu.memref_slice %arg3[%dma_wait3A_301, %dma_wait3A_302] : memref<100000x128xf32, #tpu.memory_space<hbm>> -> memref<128x128xf32, #tpu.memory_space<hbm>>
        %dma_wait3A_304 = arith.constant 0 : i32
        %dma_wait3A_305 = arith.constant 0 : i32
        %dma_wait3A_306 = tpu.memref_slice %arg6[%dma_wait3A_296, %dma_wait3A_304, %dma_wait3A_305] : memref<7x128x128xf32, #tpu.memory_space<vmem>> -> memref<1x128x128xf32, #tpu.memory_space<vmem>>
        %dma_wait3A_307 = tpu.memref_squeeze %dma_wait3A_306 : memref<1x128x128xf32, #tpu.memory_space<vmem>> -> memref<128x128xf32, #tpu.memory_space<vmem>>
        %dma_wait3A_308 = arith.constant 0 : i32
        %dma_wait3A_309 = arith.constant 0 : i32
        %dma_wait3A_310 = tpu.memref_slice %arg3[%dma_wait3A_308, %dma_wait3A_309] : memref<100000x128xf32, #tpu.memory_space<hbm>> -> memref<128x128xf32, #tpu.memory_space<hbm>>
        tpu.wait_dma2 semaphore(%arg8 : memref<!tpu.dma_semaphore, #tpu.memory_space<semaphore_mem>>) src(%dma_wait3A_310 : memref<128x128xf32, #tpu.memory_space<hbm>>) dst(%dma_wait3A_307 : memref<128x128xf32, #tpu.memory_space<vmem>>)
        %mul3A_311 = arith.constant 128 : i32
        %mul3A_312 = arith.muli %sub3A_260, %mul3A_311 : i32
        %add3A_313 = arith.addi %mul3A_2, %mul3A_312 : i32
        %dma_start3A = arith.constant 1 : i32
        %dma_start3A_314 = arith.constant 0 : i32
        %dma_start3A_315 = arith.constant 0 : i32
        %dma_start3A_316 = tpu.memref_slice %arg6[%dma_start3A, %dma_start3A_314, %dma_start3A_315] : memref<7x128x128xf32, #tpu.memory_space<vmem>> -> memref<1x128x128xf32, #tpu.memory_space<vmem>>
        %dma_start3A_317 = tpu.memref_squeeze %dma_start3A_316 : memref<1x128x128xf32, #tpu.memory_space<vmem>> -> memref<128x128xf32, #tpu.memory_space<vmem>>
        %dma_start3A_318 = arith.constant 0 : i32
        %dma_start3A_319 = tpu.memref_slice %arg4[%add3A_313, %dma_start3A_318] : memref<204800x128xf32, #tpu.memory_space<hbm>> -> memref<128x128xf32, #tpu.memory_space<hbm>>
        %dma_start3A_320 = arith.constant 0 : i32
        %dma_start3A_321 = tpu.memref_slice %arg4[%add3A_313, %dma_start3A_320] : memref<204800x128xf32, #tpu.memory_space<hbm>> -> memref<128x128xf32, #tpu.memory_space<hbm>>
        %dma_start3A_322 = arith.constant 0 : i32
        %dma_start3A_323 = arith.constant 0 : i32
        %dma_start3A_324 = tpu.memref_slice %arg6[%dma_start3A, %dma_start3A_322, %dma_start3A_323] : memref<7x128x128xf32, #tpu.memory_space<vmem>> -> memref<1x128x128xf32, #tpu.memory_space<vmem>>
        %dma_start3A_325 = tpu.memref_squeeze %dma_start3A_324 : memref<1x128x128xf32, #tpu.memory_space<vmem>> -> memref<128x128xf32, #tpu.memory_space<vmem>>
        tpu.enqueue_dma source(%dma_start3A_325 : memref<128x128xf32, #tpu.memory_space<vmem>>) target(%dma_start3A_321 : memref<128x128xf32, #tpu.memory_space<hbm>>) target_semaphore(%arg15 : memref<!tpu.dma_semaphore, #tpu.memory_space<semaphore_mem>>)
      } else {
      }
      %mul3A_269 = arith.constant 7 : i32
      %mul3A_270 = arith.muli %scan3A_112, %mul3A_269 : i32
      %add3A_271 = arith.constant 6 : i32
      %add3A_272 = arith.addi %mul3A_270, %add3A_271 : i32
      %ge3A_273 = arith.constant 7 : i32
      %ge3A_274 = arith.cmpi sge, %add3A_272, %ge3A_273 : i32
      %lt3A_275 = arith.constant 50 : i32
      %lt3A_276 = arith.cmpi slt, %add3A_272, %lt3A_275 : i32
      %and3A_277 = arith.andi %ge3A_274, %lt3A_276 : i1
      %convert_element_type3A_278 = arith.extui %and3A_277 : i1 to i32
      %cond3A_279 = arith.constant 0 : i32
      %cond3A_280 = arith.cmpi ne, %convert_element_type3A_278, %cond3A_279 : i32
      scf.if %cond3A_280 {
        %dma_wait3A_296 = arith.constant 6 : i32
        %dma_wait3A_297 = arith.constant 0 : i32
        %dma_wait3A_298 = arith.constant 0 : i32
        %dma_wait3A_299 = tpu.memref_slice %arg6[%dma_wait3A_296, %dma_wait3A_297, %dma_wait3A_298] : memref<7x128x128xf32, #tpu.memory_space<vmem>> -> memref<1x128x128xf32, #tpu.memory_space<vmem>>
        %dma_wait3A_300 = tpu.memref_squeeze %dma_wait3A_299 : memref<1x128x128xf32, #tpu.memory_space<vmem>> -> memref<128x128xf32, #tpu.memory_space<vmem>>
        %dma_wait3A_301 = arith.constant 0 : i32
        %dma_wait3A_302 = arith.constant 0 : i32
        %dma_wait3A_303 = tpu.memref_slice %arg3[%dma_wait3A_301, %dma_wait3A_302] : memref<100000x128xf32, #tpu.memory_space<hbm>> -> memref<128x128xf32, #tpu.memory_space<hbm>>
        %dma_wait3A_304 = arith.constant 0 : i32
        %dma_wait3A_305 = arith.constant 0 : i32
        %dma_wait3A_306 = tpu.memref_slice %arg6[%dma_wait3A_296, %dma_wait3A_304, %dma_wait3A_305] : memref<7x128x128xf32, #tpu.memory_space<vmem>> -> memref<1x128x128xf32, #tpu.memory_space<vmem>>
        %dma_wait3A_307 = tpu.memref_squeeze %dma_wait3A_306 : memref<1x128x128xf32, #tpu.memory_space<vmem>> -> memref<128x128xf32, #tpu.memory_space<vmem>>
        %dma_wait3A_308 = arith.constant 0 : i32
        %dma_wait3A_309 = arith.constant 0 : i32
        %dma_wait3A_310 = tpu.memref_slice %arg3[%dma_wait3A_308, %dma_wait3A_309] : memref<100000x128xf32, #tpu.memory_space<hbm>> -> memref<128x128xf32, #tpu.memory_space<hbm>>
        tpu.wait_dma2 semaphore(%arg20 : memref<!tpu.dma_semaphore, #tpu.memory_space<semaphore_mem>>) src(%dma_wait3A_310 : memref<128x128xf32, #tpu.memory_space<hbm>>) dst(%dma_wait3A_307 : memref<128x128xf32, #tpu.memory_space<vmem>>)
      } else {
      }
      %lt3A_281 = arith.constant 50 : i32
      %lt3A_282 = arith.cmpi slt, %add3A_272, %lt3A_281 : i32
      %convert_element_type3A_283 = arith.extui %lt3A_282 : i1 to i32
      %cond3A_284 = arith.constant 0 : i32
      %cond3A_285 = arith.cmpi ne, %convert_element_type3A_283, %cond3A_284 : i32
      scf.if %cond3A_285 {
        %dma_start3A = arith.constant 6 : i32
        %dma_start3A_296 = arith.constant 0 : i32
        %dma_start3A_297 = arith.constant 0 : i32
        %dma_start3A_298 = tpu.memref_slice %arg6[%dma_start3A, %dma_start3A_296, %dma_start3A_297] : memref<7x128x128xf32, #tpu.memory_space<vmem>> -> memref<1x128x128xf32, #tpu.memory_space<vmem>>
        %dma_start3A_299 = tpu.memref_squeeze %dma_start3A_298 : memref<1x128x128xf32, #tpu.memory_space<vmem>> -> memref<128x128xf32, #tpu.memory_space<vmem>>
        %dma_start3A_300 = arith.constant 0 : i32
        %dma_start3A_301 = tpu.memref_slice %arg5[%add3A_272, %dma_start3A_300] : memref<50x128xi32, #tpu.memory_space<vmem>> -> memref<1x128xi32, #tpu.memory_space<vmem>>
        %dma_start3A_302 = tpu.memref_squeeze %dma_start3A_301 : memref<1x128xi32, #tpu.memory_space<vmem>> -> memref<128xi32, #tpu.memory_space<vmem>>
        %dma_start3A_303 = arith.constant 0 : i32
        %dma_start3A_304 = arith.constant 0 : i32
        %dma_start3A_305 = tpu.memref_slice %arg3[%dma_start3A_303, %dma_start3A_304] : memref<100000x128xf32, #tpu.memory_space<hbm>> -> memref<100000x128xf32, #tpu.memory_space<hbm>>
        tpu.enqueue_indirect_dma source(%dma_start3A_305 : memref<100000x128xf32, #tpu.memory_space<hbm>>) target(%dma_start3A_299 : memref<128x128xf32, #tpu.memory_space<vmem>>) offsets(%dma_start3A_302 : memref<128xi32, #tpu.memory_space<vmem>>) semaphore(%arg13 : memref<!tpu.dma_semaphore, #tpu.memory_space<semaphore_mem>>)
      } else {
      }
      %sub3A_286 = arith.constant 4 : i32
      %sub3A_287 = arith.subi %add3A_272, %sub3A_286 : i32
      %ge3A_288 = arith.constant 0 : i32
      %ge3A_289 = arith.cmpi sge, %sub3A_287, %ge3A_288 : i32
      %lt3A_290 = arith.constant 50 : i32
      %lt3A_291 = arith.cmpi slt, %sub3A_287, %lt3A_290 : i32
      %and3A_292 = arith.andi %ge3A_289, %lt3A_291 : i1
      %convert_element_type3A_293 = arith.extui %and3A_292 : i1 to i32
      %cond3A_294 = arith.constant 0 : i32
      %cond3A_295 = arith.cmpi ne, %convert_element_type3A_293, %cond3A_294 : i32
      scf.if %cond3A_295 {
        %dma_wait3A_296 = arith.constant 2 : i32
        %dma_wait3A_297 = arith.constant 0 : i32
        %dma_wait3A_298 = arith.constant 0 : i32
        %dma_wait3A_299 = tpu.memref_slice %arg6[%dma_wait3A_296, %dma_wait3A_297, %dma_wait3A_298] : memref<7x128x128xf32, #tpu.memory_space<vmem>> -> memref<1x128x128xf32, #tpu.memory_space<vmem>>
        %dma_wait3A_300 = tpu.memref_squeeze %dma_wait3A_299 : memref<1x128x128xf32, #tpu.memory_space<vmem>> -> memref<128x128xf32, #tpu.memory_space<vmem>>
        %dma_wait3A_301 = arith.constant 0 : i32
        %dma_wait3A_302 = arith.constant 0 : i32
        %dma_wait3A_303 = tpu.memref_slice %arg3[%dma_wait3A_301, %dma_wait3A_302] : memref<100000x128xf32, #tpu.memory_space<hbm>> -> memref<128x128xf32, #tpu.memory_space<hbm>>
        %dma_wait3A_304 = arith.constant 0 : i32
        %dma_wait3A_305 = arith.constant 0 : i32
        %dma_wait3A_306 = tpu.memref_slice %arg6[%dma_wait3A_296, %dma_wait3A_304, %dma_wait3A_305] : memref<7x128x128xf32, #tpu.memory_space<vmem>> -> memref<1x128x128xf32, #tpu.memory_space<vmem>>
        %dma_wait3A_307 = tpu.memref_squeeze %dma_wait3A_306 : memref<1x128x128xf32, #tpu.memory_space<vmem>> -> memref<128x128xf32, #tpu.memory_space<vmem>>
        %dma_wait3A_308 = arith.constant 0 : i32
        %dma_wait3A_309 = arith.constant 0 : i32
        %dma_wait3A_310 = tpu.memref_slice %arg3[%dma_wait3A_308, %dma_wait3A_309] : memref<100000x128xf32, #tpu.memory_space<hbm>> -> memref<128x128xf32, #tpu.memory_space<hbm>>
        tpu.wait_dma2 semaphore(%arg9 : memref<!tpu.dma_semaphore, #tpu.memory_space<semaphore_mem>>) src(%dma_wait3A_310 : memref<128x128xf32, #tpu.memory_space<hbm>>) dst(%dma_wait3A_307 : memref<128x128xf32, #tpu.memory_space<vmem>>)
        %mul3A_311 = arith.constant 128 : i32
        %mul3A_312 = arith.muli %sub3A_287, %mul3A_311 : i32
        %add3A_313 = arith.addi %mul3A_2, %mul3A_312 : i32
        %dma_start3A = arith.constant 2 : i32
        %dma_start3A_314 = arith.constant 0 : i32
        %dma_start3A_315 = arith.constant 0 : i32
        %dma_start3A_316 = tpu.memref_slice %arg6[%dma_start3A, %dma_start3A_314, %dma_start3A_315] : memref<7x128x128xf32, #tpu.memory_space<vmem>> -> memref<1x128x128xf32, #tpu.memory_space<vmem>>
        %dma_start3A_317 = tpu.memref_squeeze %dma_start3A_316 : memref<1x128x128xf32, #tpu.memory_space<vmem>> -> memref<128x128xf32, #tpu.memory_space<vmem>>
        %dma_start3A_318 = arith.constant 0 : i32
        %dma_start3A_319 = tpu.memref_slice %arg4[%add3A_313, %dma_start3A_318] : memref<204800x128xf32, #tpu.memory_space<hbm>> -> memref<128x128xf32, #tpu.memory_space<hbm>>
        %dma_start3A_320 = arith.constant 0 : i32
        %dma_start3A_321 = tpu.memref_slice %arg4[%add3A_313, %dma_start3A_320] : memref<204800x128xf32, #tpu.memory_space<hbm>> -> memref<128x128xf32, #tpu.memory_space<hbm>>
        %dma_start3A_322 = arith.constant 0 : i32
        %dma_start3A_323 = arith.constant 0 : i32
        %dma_start3A_324 = tpu.memref_slice %arg6[%dma_start3A, %dma_start3A_322, %dma_start3A_323] : memref<7x128x128xf32, #tpu.memory_space<vmem>> -> memref<1x128x128xf32, #tpu.memory_space<vmem>>
        %dma_start3A_325 = tpu.memref_squeeze %dma_start3A_324 : memref<1x128x128xf32, #tpu.memory_space<vmem>> -> memref<128x128xf32, #tpu.memory_space<vmem>>
        tpu.enqueue_dma source(%dma_start3A_325 : memref<128x128xf32, #tpu.memory_space<vmem>>) target(%dma_start3A_321 : memref<128x128xf32, #tpu.memory_space<hbm>>) target_semaphore(%arg16 : memref<!tpu.dma_semaphore, #tpu.memory_space<semaphore_mem>>)
      } else {
      }
    }
    %scan3A_7 = arith.constant 8 : i32
    %dma_wait3A = arith.constant 0 : i32
    %dma_wait3A_8 = arith.constant 0 : i32
    %dma_wait3A_9 = arith.constant 0 : i32
    %dma_wait3A_10 = tpu.memref_slice %arg6[%dma_wait3A, %dma_wait3A_8, %dma_wait3A_9] : memref<7x128x128xf32, #tpu.memory_space<vmem>> -> memref<1x128x128xf32, #tpu.memory_space<vmem>>
    %dma_wait3A_11 = tpu.memref_squeeze %dma_wait3A_10 : memref<1x128x128xf32, #tpu.memory_space<vmem>> -> memref<128x128xf32, #tpu.memory_space<vmem>>
    %dma_wait3A_12 = arith.constant 0 : i32
    %dma_wait3A_13 = arith.constant 0 : i32
    %dma_wait3A_14 = tpu.memref_slice %arg3[%dma_wait3A_12, %dma_wait3A_13] : memref<100000x128xf32, #tpu.memory_space<hbm>> -> memref<128x128xf32, #tpu.memory_space<hbm>>
    %dma_wait3A_15 = arith.constant 0 : i32
    %dma_wait3A_16 = arith.constant 0 : i32
    %dma_wait3A_17 = tpu.memref_slice %arg6[%dma_wait3A, %dma_wait3A_15, %dma_wait3A_16] : memref<7x128x128xf32, #tpu.memory_space<vmem>> -> memref<1x128x128xf32, #tpu.memory_space<vmem>>
    %dma_wait3A_18 = tpu.memref_squeeze %dma_wait3A_17 : memref<1x128x128xf32, #tpu.memory_space<vmem>> -> memref<128x128xf32, #tpu.memory_space<vmem>>
    %dma_wait3A_19 = arith.constant 0 : i32
    %dma_wait3A_20 = arith.constant 0 : i32
    %dma_wait3A_21 = tpu.memref_slice %arg3[%dma_wait3A_19, %dma_wait3A_20] : memref<100000x128xf32, #tpu.memory_space<hbm>> -> memref<128x128xf32, #tpu.memory_space<hbm>>
    tpu.wait_dma2 semaphore(%arg14 : memref<!tpu.dma_semaphore, #tpu.memory_space<semaphore_mem>>) src(%dma_wait3A_21 : memref<128x128xf32, #tpu.memory_space<hbm>>) dst(%dma_wait3A_18 : memref<128x128xf32, #tpu.memory_space<vmem>>)
    %dma_wait3A_22 = arith.constant 1 : i32
    %dma_wait3A_23 = arith.constant 0 : i32
    %dma_wait3A_24 = arith.constant 0 : i32
    %dma_wait3A_25 = tpu.memref_slice %arg6[%dma_wait3A_22, %dma_wait3A_23, %dma_wait3A_24] : memref<7x128x128xf32, #tpu.memory_space<vmem>> -> memref<1x128x128xf32, #tpu.memory_space<vmem>>
    %dma_wait3A_26 = tpu.memref_squeeze %dma_wait3A_25 : memref<1x128x128xf32, #tpu.memory_space<vmem>> -> memref<128x128xf32, #tpu.memory_space<vmem>>
    %dma_wait3A_27 = arith.constant 0 : i32
    %dma_wait3A_28 = arith.constant 0 : i32
    %dma_wait3A_29 = tpu.memref_slice %arg3[%dma_wait3A_27, %dma_wait3A_28] : memref<100000x128xf32, #tpu.memory_space<hbm>> -> memref<128x128xf32, #tpu.memory_space<hbm>>
    %dma_wait3A_30 = arith.constant 0 : i32
    %dma_wait3A_31 = arith.constant 0 : i32
    %dma_wait3A_32 = tpu.memref_slice %arg6[%dma_wait3A_22, %dma_wait3A_30, %dma_wait3A_31] : memref<7x128x128xf32, #tpu.memory_space<vmem>> -> memref<1x128x128xf32, #tpu.memory_space<vmem>>
    %dma_wait3A_33 = tpu.memref_squeeze %dma_wait3A_32 : memref<1x128x128xf32, #tpu.memory_space<vmem>> -> memref<128x128xf32, #tpu.memory_space<vmem>>
    %dma_wait3A_34 = arith.constant 0 : i32
    %dma_wait3A_35 = arith.constant 0 : i32
    %dma_wait3A_36 = tpu.memref_slice %arg3[%dma_wait3A_34, %dma_wait3A_35] : memref<100000x128xf32, #tpu.memory_space<hbm>> -> memref<128x128xf32, #tpu.memory_space<hbm>>
    tpu.wait_dma2 semaphore(%arg15 : memref<!tpu.dma_semaphore, #tpu.memory_space<semaphore_mem>>) src(%dma_wait3A_36 : memref<128x128xf32, #tpu.memory_space<hbm>>) dst(%dma_wait3A_33 : memref<128x128xf32, #tpu.memory_space<vmem>>)
    %dma_wait3A_37 = arith.constant 2 : i32
    %dma_wait3A_38 = arith.constant 0 : i32
    %dma_wait3A_39 = arith.constant 0 : i32
    %dma_wait3A_40 = tpu.memref_slice %arg6[%dma_wait3A_37, %dma_wait3A_38, %dma_wait3A_39] : memref<7x128x128xf32, #tpu.memory_space<vmem>> -> memref<1x128x128xf32, #tpu.memory_space<vmem>>
    %dma_wait3A_41 = tpu.memref_squeeze %dma_wait3A_40 : memref<1x128x128xf32, #tpu.memory_space<vmem>> -> memref<128x128xf32, #tpu.memory_space<vmem>>
    %dma_wait3A_42 = arith.constant 0 : i32
    %dma_wait3A_43 = arith.constant 0 : i32
    %dma_wait3A_44 = tpu.memref_slice %arg3[%dma_wait3A_42, %dma_wait3A_43] : memref<100000x128xf32, #tpu.memory_space<hbm>> -> memref<128x128xf32, #tpu.memory_space<hbm>>
    %dma_wait3A_45 = arith.constant 0 : i32
    %dma_wait3A_46 = arith.constant 0 : i32
    %dma_wait3A_47 = tpu.memref_slice %arg6[%dma_wait3A_37, %dma_wait3A_45, %dma_wait3A_46] : memref<7x128x128xf32, #tpu.memory_space<vmem>> -> memref<1x128x128xf32, #tpu.memory_space<vmem>>
    %dma_wait3A_48 = tpu.memref_squeeze %dma_wait3A_47 : memref<1x128x128xf32, #tpu.memory_space<vmem>> -> memref<128x128xf32, #tpu.memory_space<vmem>>
    %dma_wait3A_49 = arith.constant 0 : i32
    %dma_wait3A_50 = arith.constant 0 : i32
    %dma_wait3A_51 = tpu.memref_slice %arg3[%dma_wait3A_49, %dma_wait3A_50] : memref<100000x128xf32, #tpu.memory_space<hbm>> -> memref<128x128xf32, #tpu.memory_space<hbm>>
    tpu.wait_dma2 semaphore(%arg16 : memref<!tpu.dma_semaphore, #tpu.memory_space<semaphore_mem>>) src(%dma_wait3A_51 : memref<128x128xf32, #tpu.memory_space<hbm>>) dst(%dma_wait3A_48 : memref<128x128xf32, #tpu.memory_space<vmem>>)
    %dma_wait3A_52 = arith.constant 3 : i32
    %dma_wait3A_53 = arith.constant 0 : i32
    %dma_wait3A_54 = arith.constant 0 : i32
    %dma_wait3A_55 = tpu.memref_slice %arg6[%dma_wait3A_52, %dma_wait3A_53, %dma_wait3A_54] : memref<7x128x128xf32, #tpu.memory_space<vmem>> -> memref<1x128x128xf32, #tpu.memory_space<vmem>>
    %dma_wait3A_56 = tpu.memref_squeeze %dma_wait3A_55 : memref<1x128x128xf32, #tpu.memory_space<vmem>> -> memref<128x128xf32, #tpu.memory_space<vmem>>
    %dma_wait3A_57 = arith.constant 0 : i32
    %dma_wait3A_58 = arith.constant 0 : i32
    %dma_wait3A_59 = tpu.memref_slice %arg3[%dma_wait3A_57, %dma_wait3A_58] : memref<100000x128xf32, #tpu.memory_space<hbm>> -> memref<128x128xf32, #tpu.memory_space<hbm>>
    %dma_wait3A_60 = arith.constant 0 : i32
    %dma_wait3A_61 = arith.constant 0 : i32
    %dma_wait3A_62 = tpu.memref_slice %arg6[%dma_wait3A_52, %dma_wait3A_60, %dma_wait3A_61] : memref<7x128x128xf32, #tpu.memory_space<vmem>> -> memref<1x128x128xf32, #tpu.memory_space<vmem>>
    %dma_wait3A_63 = tpu.memref_squeeze %dma_wait3A_62 : memref<1x128x128xf32, #tpu.memory_space<vmem>> -> memref<128x128xf32, #tpu.memory_space<vmem>>
    %dma_wait3A_64 = arith.constant 0 : i32
    %dma_wait3A_65 = arith.constant 0 : i32
    %dma_wait3A_66 = tpu.memref_slice %arg3[%dma_wait3A_64, %dma_wait3A_65] : memref<100000x128xf32, #tpu.memory_space<hbm>> -> memref<128x128xf32, #tpu.memory_space<hbm>>
    tpu.wait_dma2 semaphore(%arg17 : memref<!tpu.dma_semaphore, #tpu.memory_space<semaphore_mem>>) src(%dma_wait3A_66 : memref<128x128xf32, #tpu.memory_space<hbm>>) dst(%dma_wait3A_63 : memref<128x128xf32, #tpu.memory_space<vmem>>)
    %dma_wait3A_67 = arith.constant 4 : i32
    %dma_wait3A_68 = arith.constant 0 : i32
    %dma_wait3A_69 = arith.constant 0 : i32
    %dma_wait3A_70 = tpu.memref_slice %arg6[%dma_wait3A_67, %dma_wait3A_68, %dma_wait3A_69] : memref<7x128x128xf32, #tpu.memory_space<vmem>> -> memref<1x128x128xf32, #tpu.memory_space<vmem>>
    %dma_wait3A_71 = tpu.memref_squeeze %dma_wait3A_70 : memref<1x128x128xf32, #tpu.memory_space<vmem>> -> memref<128x128xf32, #tpu.memory_space<vmem>>
    %dma_wait3A_72 = arith.constant 0 : i32
    %dma_wait3A_73 = arith.constant 0 : i32
    %dma_wait3A_74 = tpu.memref_slice %arg3[%dma_wait3A_72, %dma_wait3A_73] : memref<100000x128xf32, #tpu.memory_space<hbm>> -> memref<128x128xf32, #tpu.memory_space<hbm>>
    %dma_wait3A_75 = arith.constant 0 : i32
    %dma_wait3A_76 = arith.constant 0 : i32
    %dma_wait3A_77 = tpu.memref_slice %arg6[%dma_wait3A_67, %dma_wait3A_75, %dma_wait3A_76] : memref<7x128x128xf32, #tpu.memory_space<vmem>> -> memref<1x128x128xf32, #tpu.memory_space<vmem>>
    %dma_wait3A_78 = tpu.memref_squeeze %dma_wait3A_77 : memref<1x128x128xf32, #tpu.memory_space<vmem>> -> memref<128x128xf32, #tpu.memory_space<vmem>>
    %dma_wait3A_79 = arith.constant 0 : i32
    %dma_wait3A_80 = arith.constant 0 : i32
    %dma_wait3A_81 = tpu.memref_slice %arg3[%dma_wait3A_79, %dma_wait3A_80] : memref<100000x128xf32, #tpu.memory_space<hbm>> -> memref<128x128xf32, #tpu.memory_space<hbm>>
    tpu.wait_dma2 semaphore(%arg18 : memref<!tpu.dma_semaphore, #tpu.memory_space<semaphore_mem>>) src(%dma_wait3A_81 : memref<128x128xf32, #tpu.memory_space<hbm>>) dst(%dma_wait3A_78 : memref<128x128xf32, #tpu.memory_space<vmem>>)
    %dma_wait3A_82 = arith.constant 5 : i32
    %dma_wait3A_83 = arith.constant 0 : i32
    %dma_wait3A_84 = arith.constant 0 : i32
    %dma_wait3A_85 = tpu.memref_slice %arg6[%dma_wait3A_82, %dma_wait3A_83, %dma_wait3A_84] : memref<7x128x128xf32, #tpu.memory_space<vmem>> -> memref<1x128x128xf32, #tpu.memory_space<vmem>>
    %dma_wait3A_86 = tpu.memref_squeeze %dma_wait3A_85 : memref<1x128x128xf32, #tpu.memory_space<vmem>> -> memref<128x128xf32, #tpu.memory_space<vmem>>
    %dma_wait3A_87 = arith.constant 0 : i32
    %dma_wait3A_88 = arith.constant 0 : i32
    %dma_wait3A_89 = tpu.memref_slice %arg3[%dma_wait3A_87, %dma_wait3A_88] : memref<100000x128xf32, #tpu.memory_space<hbm>> -> memref<128x128xf32, #tpu.memory_space<hbm>>
    %dma_wait3A_90 = arith.constant 0 : i32
    %dma_wait3A_91 = arith.constant 0 : i32
    %dma_wait3A_92 = tpu.memref_slice %arg6[%dma_wait3A_82, %dma_wait3A_90, %dma_wait3A_91] : memref<7x128x128xf32, #tpu.memory_space<vmem>> -> memref<1x128x128xf32, #tpu.memory_space<vmem>>
    %dma_wait3A_93 = tpu.memref_squeeze %dma_wait3A_92 : memref<1x128x128xf32, #tpu.memory_space<vmem>> -> memref<128x128xf32, #tpu.memory_space<vmem>>
    %dma_wait3A_94 = arith.constant 0 : i32
    %dma_wait3A_95 = arith.constant 0 : i32
    %dma_wait3A_96 = tpu.memref_slice %arg3[%dma_wait3A_94, %dma_wait3A_95] : memref<100000x128xf32, #tpu.memory_space<hbm>> -> memref<128x128xf32, #tpu.memory_space<hbm>>
    tpu.wait_dma2 semaphore(%arg19 : memref<!tpu.dma_semaphore, #tpu.memory_space<semaphore_mem>>) src(%dma_wait3A_96 : memref<128x128xf32, #tpu.memory_space<hbm>>) dst(%dma_wait3A_93 : memref<128x128xf32, #tpu.memory_space<vmem>>)
    %dma_wait3A_97 = arith.constant 6 : i32
    %dma_wait3A_98 = arith.constant 0 : i32
    %dma_wait3A_99 = arith.constant 0 : i32
    %dma_wait3A_100 = tpu.memref_slice %arg6[%dma_wait3A_97, %dma_wait3A_98, %dma_wait3A_99] : memref<7x128x128xf32, #tpu.memory_space<vmem>> -> memref<1x128x128xf32, #tpu.memory_space<vmem>>
    %dma_wait3A_101 = tpu.memref_squeeze %dma_wait3A_100 : memref<1x128x128xf32, #tpu.memory_space<vmem>> -> memref<128x128xf32, #tpu.memory_space<vmem>>
    %dma_wait3A_102 = arith.constant 0 : i32
    %dma_wait3A_103 = arith.constant 0 : i32
    %dma_wait3A_104 = tpu.memref_slice %arg3[%dma_wait3A_102, %dma_wait3A_103] : memref<100000x128xf32, #tpu.memory_space<hbm>> -> memref<128x128xf32, #tpu.memory_space<hbm>>
    %dma_wait3A_105 = arith.constant 0 : i32
    %dma_wait3A_106 = arith.constant 0 : i32
    %dma_wait3A_107 = tpu.memref_slice %arg6[%dma_wait3A_97, %dma_wait3A_105, %dma_wait3A_106] : memref<7x128x128xf32, #tpu.memory_space<vmem>> -> memref<1x128x128xf32, #tpu.memory_space<vmem>>
    %dma_wait3A_108 = tpu.memref_squeeze %dma_wait3A_107 : memref<1x128x128xf32, #tpu.memory_space<vmem>> -> memref<128x128xf32, #tpu.memory_space<vmem>>
    %dma_wait3A_109 = arith.constant 0 : i32
    %dma_wait3A_110 = arith.constant 0 : i32
    %dma_wait3A_111 = tpu.memref_slice %arg3[%dma_wait3A_109, %dma_wait3A_110] : memref<100000x128xf32, #tpu.memory_space<hbm>> -> memref<128x128xf32, #tpu.memory_space<hbm>>
    tpu.wait_dma2 semaphore(%arg20 : memref<!tpu.dma_semaphore, #tpu.memory_space<semaphore_mem>>) src(%dma_wait3A_111 : memref<128x128xf32, #tpu.memory_space<hbm>>) dst(%dma_wait3A_108 : memref<128x128xf32, #tpu.memory_space<vmem>>)
    return
  }
}

</mosaic_0001>

<sc_bundles>
// kernel: _sc_gather.3.cloned.1.call-start
scs
__scs_entry_jumppad:
0x0: {  	(pc) =	sbr.rel $0x88, $3  }
0x1: {  	(tag) =	ssettag $0x0;
	lr =	simm.s32 $0x1  }
0x2: {  	[smem:$0x3F9F] =	sst lr;
	_ =	strace $0xD0000000  }
0x3: {  	_ = 	snop  }
0x4: {  	_ = 	snop  }
0x5: {  	_ = 	snop  }
0x6: {  	_ = 	snop  }
0x7: {  	_ = 	snop  }
__scs_overlays_trampoline_lowered:
0x8: {  	[smem:$0x3FAE] =	sst s0  }
0x9: {  	[smem:$0x3FAF] =	sst s1  }
0xa: {  	[smem:$0x3FB0] =	sst s2  }
0xb: {  	[smem:$0x3FB1] =	sst s3  }
0xc: {  	[smem:$0x3FB2] =	sst s4  }
0xd: {  	[smem:$0x3FB3] =	sst s5  }
0xe: {  	[smem:$0x3FB4] =	sst s6  }
0xf: {  	[smem:$0x3FB5] =	sst s7  }
0x10: {  	[smem:$0x3FB6] =	sst s8  }
0x11: {  	[smem:$0x3FB7] =	sst s9;
	s0 =	simm.s32 @!p0 $0x0  }
0x12: {  	s1 =	sld [smem:$0x3F9D];
	s0 =	simm.s32 @p0 $0x1  }
0x13: {  	[smem:$0x3FB8] =	sst s0;
	s0 =	simm.s32 @!p1 $0x0  }
0x14: {  	s2 =	sld [smem:$0x3F9C];
	s0 =	simm.s32 @p1 $0x1  }
0x15: {  	[smem:$0x3FB9] =	sst s0;
	s0 =	simm.s32 @!p2 $0x0  }
0x16: {  	s3 =	sld [smem:$0x3FDB];
	s0 =	simm.s32 @p2 $0x1  }
0x17: {  	s4 =	simm.s32 $0x1BF5;
	[smem:$0x3FBB] =	sst s0  }
0x18: {  	s0 =	sld [smem:$0x3F9E];
	_ =	swait.ge [sflag:s4], $0x0  }
0x19: {  	s7 =	sld [smem:$0x3F9F]  }
0x1a: {  	s8 =	sadd.s32 $0xFFFFE003, lr  }
0x1b: {  	s9 =	sadd.s32 $0xFFFFFEF7, lr;
	s5 =	simm.s32 $0xFFFFFFFF;
	p2 =	slt.u32 s8, $0xFFFFF086  }
0x1c: {  	p1 =	slt.u32 s9, $0xF7A;
	s5 =	simm.s32 @!p2 $0x0  }
0x1d: {  	s5 =	simm.s32 @p1 $0x1;
	p0 =	seq.s32 s7, s2  }
0x1e: {  	s7 =	smul.u32 @!p0 $0xF7A, s2;
	p2 =	seq.s32 @!p0 s5, $0x0  }
0x1f: {  	s9 =	smul.u32 $0xF7A, s1;
	s8 =	simm.s32 @!p0 $0x1BF5;
	p2 =	por !p2, p0  }
0x20: {  	[sflag:s8] =	ssyncset.s32 @!p0 $0xFFFFF086;
	s6 =	sadd.s32 @!p0 s3, s7;
	s7 =	simm.s32 @!p0 $0x108  }
0x21: {  	s3 =	sadd.s32 s3, s9;
	s6 =	sadd.s32 @!p0 $0x88, s6;
	s7 =	simm.s32 @p2 $0x1082  }
0x22: {  	[simem:s7], [sflag:s8] =	dma.local @!p0 [hbm:s6], $0xF7A  }
0x23: {  	s9 =	sor.u32 $0xD0000000, s2;
	s6 =	simm.s32 $0x108;
	_ =	swait.ge @!p0 [sflag:s8], $0x0  }
0x24: {  	s3 =	sadd.s32 $0x88, s3;
	s6 =	simm.s32 @!p1 $0x1082;
	[sflag:s4] =	ssyncset.s32 $0xFFFFF086  }
0x25: {  	[simem:s6], [sflag:s4] =	dma.local [hbm:s3], $0xF7A  }
0x26: {  	[smem:$0x3F9F] =	sst s1;
	(tag) =	ssettag s2;
	_ =	strace s9  }
0x27: {  	s1 =	sld [smem:$0x3FAF]  }
0x28: {  	s2 =	sld [smem:$0x3FB0]  }
0x29: {  	s4 =	sld [smem:$0x3FB2]  }
0x2a: {  	p0 =	seq.s32 s5, $0x0;
	s5 =	sld [smem:$0x3FB3]  }
0x2b: {  	s6 =	sld [smem:$0x3FB4]  }
0x2c: {  	s7 =	sld [smem:$0x3FB5]  }
0x2d: {  	s3 =	simm.s32 $0x108;
	s8 =	sld [smem:$0x3FB6]  }
0x2e: {  	s3 =	simm.s32 @!p0 $0x1082;
	s9 =	sld [smem:$0x3FB7]  }
0x2f: {  	lr =	sadd.s32 s0, s3;
	s0 =	sld [smem:$0x3FAE]  }
0x30: {  	s3 =	sld [smem:$0x3FB1]  }
0x31: {  	[smem:$0x3FBA] =	sst s10  }
0x32: {  	s10 =	sld [smem:$0x3FB8];
	_ =	sdelay $0x3  }
0x33: {  	p0 =	seq.s32 s10, $0x1;
	s10 =	sld [smem:$0x3FBA];
	_ =	sdelay $0x3  }
0x34: {  	[smem:$0x3FBA] =	sst s10  }
0x35: {  	s10 =	sld [smem:$0x3FB9];
	_ =	sdelay $0x3  }
0x36: {  	p1 =	seq.s32 s10, $0x1;
	s10 =	sld [smem:$0x3FBA];
	_ =	sdelay $0x3  }
0x37: {  	[smem:$0x3FBA] =	sst s10  }
0x38: {  	s10 =	sld [smem:$0x3FBB]  }
0x39: {  	_ = 	snop;
	(pc) =	sbr.ind lr, $3  }
0x3a: {  	_ = 	snop  }
0x3b: {  	_ = 	snop  }
0x3c: {  	p2 =	seq.s32 s10, $0x1;
	s10 =	sld [smem:$0x3FBA]  }
0x3d: {  	_ =	shalt  }
0x3e: {  	_ =	shalt  }
0x3f: {  	_ =	shalt  }
0x40: {  	_ =	shalt  }
0x41: {  	_ =	shalt  }
0x42: {  	_ =	shalt  }
0x43: {  	_ =	shalt  }
0x44: {  	_ =	shalt  }
0x45: {  	_ =	shalt  }
0x46: {  	_ =	shalt  }
0x47: {  	_ =	shalt  }
0x48: {  	_ =	shalt  }
0x49: {  	_ =	shalt  }
0x4a: {  	_ =	shalt  }
0x4b: {  	_ =	shalt  }
0x4c: {  	_ =	shalt  }
0x4d: {  	_ =	shalt  }
0x4e: {  	_ =	shalt  }
0x4f: {  	_ =	shalt  }
0x50: {  	_ =	shalt  }
0x51: {  	_ =	shalt  }
0x52: {  	_ =	shalt  }
0x53: {  	_ =	shalt  }
0x54: {  	_ =	shalt  }
0x55: {  	_ =	shalt  }
0x56: {  	_ =	shalt  }
0x57: {  	_ =	shalt  }
0x58: {  	_ =	shalt  }
0x59: {  	_ =	shalt  }
0x5a: {  	_ =	shalt  }
0x5b: {  	_ =	shalt  }
0x5c: {  	_ =	shalt  }
0x5d: {  	_ =	shalt  }
0x5e: {  	_ =	shalt  }
0x5f: {  	_ =	shalt  }
0x60: {  	_ =	shalt  }
0x61: {  	_ =	shalt  }
0x62: {  	_ =	shalt  }
0x63: {  	_ =	shalt  }
0x64: {  	_ =	shalt  }
0x65: {  	_ =	shalt  }
0x66: {  	_ =	shalt  }
0x67: {  	_ =	shalt  }
0x68: {  	_ =	shalt  }
0x69: {  	_ =	shalt  }
0x6a: {  	_ =	shalt  }
0x6b: {  	_ =	shalt  }
0x6c: {  	_ =	shalt  }
0x6d: {  	_ =	shalt  }
0x6e: {  	_ =	shalt  }
0x6f: {  	_ =	shalt  }
0x70: {  	_ =	shalt  }
0x71: {  	_ =	shalt  }
0x72: {  	_ =	shalt  }
0x73: {  	_ =	shalt  }
0x74: {  	_ =	shalt  }
0x75: {  	_ =	shalt  }
0x76: {  	_ =	shalt  }
0x77: {  	_ =	shalt  }
0x78: {  	_ =	shalt  }
0x79: {  	_ =	shalt  }
0x7a: {  	_ =	shalt  }
0x7b: {  	_ =	shalt  }
0x7c: {  	_ =	shalt  }
0x7d: {  	_ =	shalt  }
0x7e: {  	_ =	shalt  }
0x7f: {  	_ =	shalt  }
0x80: {  	_ =	shalt  }
0x81: {  	_ =	shalt  }
0x82: {  	_ =	shalt  }
0x83: {  	_ =	shalt  }
0x84: {  	_ =	shalt  }
0x85: {  	_ =	shalt  }
0x86: {  	_ =	shalt  }
0x87: {  	_ =	shalt  }
.Lfunc_end0:
.L_simem_size_0:
called_computation_lowered:
.L_overlay_start_0:
0x88: {  	s2 =	sld [smem:$0x3FD9]  }
0x89: {  	s3 =	sld [smem:$0x3FFE];
	_ =	sdelay $0x1  }
0x8a: {  	s1 =	srdreg.scid  }
0x8b: {  	s0 =	sand.u32 $0x1, s1  }
0x8c: {  	s17 =	sshll.u32 s0, $0xA;
	s2 =	sadd.s32 s3, s2  }
0x8d: {  	s2 =	sadd.s32 s2, s17  }
0x8e: {  	[smem:$0x3FC6] =	sst s2  }
0x8f: {  	_ = 	snop  }
0x90: {  	s2 =	sld [smem:$0x3FC8]  }
0x91: {  	s18 =	sld [smem:$0x3FD0];
	(tm) =	ssettm $0x1  }
0x92: {  	s4 =	sld [smem:$0x3FFB];
	_ =	sdelay $0x3  }
0x93: {  	_ =	strace s4  }
0x94: {  	s4 =	sld [smem:$0x3FFC];
	_ =	sdelay $0x3  }
0x95: {  	_ =	strace s4  }
0x96: {  	s4 =	sld [smem:$0x3FFD];
	_ =	sdelay $0x3  }
0x97: {  	_ =	strace s4  }
0x98: {  	_ =	strace $0x8FFFFFFF  }
0x99: {  	s19 =	sld [smem:$0x3FDB];
	_ =	sdelay $0x1  }
0x9a: {  	s5 =	simm.s32 $_scs_section_size  }
0x9b: {  	s6 =	simm.s32 $_size__tile_overlayer_lowered;
	s7 =	simm.s32 $_tile_overlayer_lowered  }
0x9c: {  	s22 =	simm.s32 $0x1BFF;
	s21 =	sshll.u32 s7, $0x1;
	s4 =	sadd.s32 s5, s19  }
0x9d: {  	s8 =	simm.s32 $0x0;
	s20 =	sshll.u32 s6, $0x1;
	s6 =	sadd.s32 s21, s4  }
0x9e: {  	[timem:s8], [sflag:s22] =	dma.local [hbm:s6], s20  }
0x9f: {  	_ =	swait.ge [sflag:s22], s20  }
0xa0: {  	s5 =	ssub.s32 $0x0, s20;
	[sflag:s22] =	ssyncset.done $0x0  }
0xa1: {  	[sflag:s22] =	ssyncadd.s32 s5;
	_ =	sdelay $0x1  }
0xa2: {  	s23 =	simm.s32 $0x1B8B  }
0xa3: {  	_ =	swait.ge [sflag:s23], $0x1  }
0xa4: {  	[sflag:s23] =	ssyncset.done $0x0  }
0xa5: {  	s25 =	simm.s32 $0x1B8E;
	s24 =	sld [smem:$0x3FFE];
	[sflag:s23] =	ssyncadd.s32 $0xFFFFFFFF  }
0xa6: {  	s26 =	simm.s32 $execute0_lowered;
	[smem:$0x3FD2] =	sst s25  }
0xa7: {  	s6 =	sshll.u32 s26, $0x1;
	_ =	strace $0x80000046;
	[dreg:$0x1] =	wrdreg $0xFFFFFFFF  }
0xa8: {  	s28 =	simm.s32 $_size_execute0_lowered;
	s4 =	sadd.s32 s4, s6;
	[dreg:$0x0] =	wrdreg $0x0  }
0xa9: {  	s6 =	sshll.u32 s28, $0x1;
	[dreg:$0x2] =	wrdreg s4  }
0xaa: {  	[dreg:$0x3] =	wrdreg s6  }
0xab: {  	[dreg:$0x4] =	wrdreg $0xC0  }
0xac: {  	_ =	task [dreg:s8], $0x5FFFF  }
0xad: {  	[dreg:$0x1] =	wrdreg $0xFFFFFFFF  }
0xae: {  	[dreg:$0x0] =	wrdreg $0x60  }
0xaf: {  	[dreg:$0x2] =	wrdreg s24  }
0xb0: {  	[dreg:$0x3] =	wrdreg s2  }
0xb1: {  	[dreg:$0x4] =	wrdreg s18  }
0xb2: {  	[dreg:$0x5] =	wrdreg $0x9  }
0xb3: {  	_ =	task.clear_ibuf [dreg:s8], $0x6FFFF;
	_ =	strace $0x90000046  }
0xb4: {  	s29 =	simm.s32 $0x9;
	_ =	strace $0x80000048  }
0xb5: {  	_ =	swait.ge [sflag:s29], $0x1  }
0xb6: {  	[sflag:s29] =	ssyncadd.s32 $0xFFFFFFFF  }
0xb7: {  	_ =	strace $0x90000048  }
0xb8: {  	_ =	sfence  }
0xb9: {  	s30 =	sld [smem:$0x0];
	_ =	sdelay $0x2  }
0xba: {  	s31 =	sshll.u32 s1, $0xD;
	s1 =	sshrl.u32 s1, $0x2  }
0xbb: {  	s3 =	sand.u32 $0x4000, s31;
	s1 =	sadd.s32 s1, s30  }
0xbc: {  	s0 =	sor.u32 s3, s0;
	s1 =	sshll.u32 s1, $0x11  }
0xbd: {  	s0 =	sor.u32 s1, s0  }
0xbe: {  	s0 =	sadd.s32 $0x8F2B, s0  }
0xbf: {  	[sflag:s0] =	ssyncadd.remote.s32 $0x1  }
0xc0: {  	_ =	sfence.sel $0xFFFF  }
0xc1: {  	[dreg:$0x0] =	wrdreg $0xFFFFFFFF;
	(pc) =	sbr.abs _section_cstart, $3  }
0xc2: {  	[dreg:$0x1] =	wrdreg $0xFFFFFFFF  }
0xc3: {  	_ =	task.clear_ibuf [dreg:s8], $0x2FFFF;
	_ =	strace $0x9FFFFFFF  }
0xc4: {  	(tm) =	ssettm $0x7FFFFFFF  }
0xc5: {  	_ =	shalt  }
tec
execute0_lowered:
.L_overlay_start_1:
0x0: {  	(tag) =	ssettag $0x1  }
0x1: {  	s0 =	srdreg.scid;
	s1 =	rddreg [dreg:$0x0]  }
0x2: {  	s9 =	stileid.u32;
	s2 =	rddreg [dreg:$0x1]  }
0x3: {  	s4 =	simm.s32 $0x0;
	s11 =	simm.s32 $0x8;
	s12 =	simm.s32 $0x80  }
0x4: {  	s13 =	simm.s32 $0x1C00;
	s14 =	simm.s32 $0x4;
	s15 =	simm.s32 $0xDC00  }
0x5: {  	s18 =	simm.s32 $0x5;
	s19 =	simm.s32 $0x11C00;
	s20 =	simm.s32 $0xA  }
0x6: {  	s22 =	simm.s32 $0x6;
	s28 =	simm.s32 $0xC;
	s7 =	smul.u32 $0x32000, s9  }
0x7: {  	s0 =	sand.u32 $0x1, s0;
	s3 =	sshll.u32 s9, $0x1;
	s9 =	smul.u32 $0x190000, s9  }
0x8: {  	s29 =	simm.s32 $0x1;
	[smem:$0x7FF] =	sst s4;
	s10 =	smul.u32 $0xC8000, s0  }
0x9: {  	s5 =	sor.u32 s0, s3;
	s8 =	ssub.s32 $0x2, s0;
	s0 =	smul.u32 $0x19000, s0  }
0xa: {  	s3 =	rddreg [dreg:$0x2];
	_ =	strace $0x80000047;
	s6 =	smul.u32 $0x380, s5  }
0xb: {  	s5 =	smul.u32 $0xC8000, s5;
	s24 =	sshrl.u32 s8, $0x1;
	s26 =	sadd.s32 s7, s3  }
.Ltmp0:
0xc: {  	s30 =	sadd.s32 s10, s9;
	s0 =	sadd.s32 s0, s26;
	(pc) =	sbr.rel .LBB2_1-.Ltmp0, $4  }
0xd: {  	s1 =	sadd.s32 s6, s1;
	[dreg:$0x6] =	wrdreg s0;
	s31 =	sadd.s32 $0xFFFF0000, s30  }
0xe: {  	s6 =	ssub.s32 s8, s24;
	s1 =	sadd.s32 $0x400, s1;
	[dreg:$0x7] =	wrdreg s31  }
0xf: {  	s24 =	simm.s32 $0xB;
	s25 =	smax.u32 s6, $0x1;
	[dreg:$0x4] =	wrdreg s1  }
0x10: {  	s6 =	simm.s32 $0x0;
	[dreg:$0x5] =	wrdreg s25;
	s25 =	simm.s32 $0x7  }
.LBB2_33:
0x11: {  	_ =	swait.ge [sflag:s11], $0x4000  }
0x12: {  	[sflag:s11] =	ssyncset.done $0x0  }
0x13: {  	s0 =	simm.s32 $0x9;
	[sflag:s11] =	ssyncadd.s32 $0xFFFFC000  }
0x14: {  	_ =	swait.ge [sflag:s0], $0x4000  }
0x15: {  	[sflag:s0] =	ssyncset.done $0x0  }
0x16: {  	[sflag:s0] =	ssyncadd.s32 $0xFFFFC000  }
0x17: {  	_ =	swait.ge [sflag:s20], $0x4000  }
0x18: {  	[sflag:s20] =	ssyncset.done $0x0  }
0x19: {  	[sflag:s20] =	ssyncadd.s32 $0xFFFFC000  }
0x1a: {  	_ =	swait.ge [sflag:s24], $0x4000  }
0x1b: {  	[sflag:s24] =	ssyncset.done $0x0  }
0x1c: {  	[sflag:s24] =	ssyncadd.s32 $0xFFFFC000  }
0x1d: {  	_ =	swait.ge [sflag:s28], $0x4000  }
0x1e: {  	[sflag:s28] =	ssyncset.done $0x0  }
0x1f: {  	s30 =	simm.s32 $0xD;
	[sflag:s28] =	ssyncadd.s32 $0xFFFFC000  }
0x20: {  	_ =	swait.ge [sflag:s30], $0x4000  }
0x21: {  	[sflag:s30] =	ssyncset.done $0x0  }
0x22: {  	s1 =	simm.s32 $0xE;
	[sflag:s30] =	ssyncadd.s32 $0xFFFFC000  }
0x23: {  	_ =	swait.ge [sflag:s1], $0x4000  }
0x24: {  	s6 =	rddreg [dreg:$0x8]  }
0x25: {  	s31 =	rddreg [dreg:$0x5];
	s6 =	sadd.s32 $0x1, s6  }
0x26: {  	p0 =	sne.s32 s6, s31  }
.Ltmp1:
0x27: {  	_ = 	snop;
	(pc) =	sbr.rel @!p0 .LBB2_34-.Ltmp1, $3  }
0x28: {  	_ =	sdelay $0x1  }
0x29: {  	[sflag:s1] =	ssyncset.done $0x0  }
0x2a: {  	[sflag:s1] =	ssyncadd.s32 $0xFFFFC000  }
.LBB2_1:
0x2b: {  	[dreg:$0x8] =	wrdreg s6  }
.Ltmp2:
0x2c: {  	s0 =	rddreg [dreg:$0x4];
	s31 =	simm.s32 $0xF;
	(pc) =	sbr.rel .LBB2_2-.Ltmp2, $4  }
0x2d: {  	[tilespmem:s4], [sflag:$0xF] =	stream.linear.gather [hbm4b:s0+s4], $0x1900, $0x38;
	[tilespmem:$0x1DC00] =	vst v63  }
0x2e: {  	s7 =	simm.s32 $0x0;
	_ =	swait.ge [sflag:s31], $0x1900  }
0x2f: {  	s6 =	simm.s32 $0x0;
	[sflag:s31] =	ssyncset.done $0x0;
	s9 =	rddreg [dreg:$0x7]  }
0x30: {  	s0 =	simm.s32 $0x2;
	s8 =	rddreg [dreg:$0x6];
	[sflag:s31] =	ssyncadd.s32 $0xFFFFE700  }
.LBB2_26:
0x31: {  	s10 =	smov.u32 s7;
	s31 =	smov.u32 s0  }
.LBB2_31:
0x32: {  	s17 =	sadd.s32 $0x200, s10;
	p0 =	por $0x0, $0x0  }
0x33: {  	[tilespmem:s19], [sflag:$0x5] =	stream.indirect.gather [hbm4b:s2+s12], $0x80, s17, s12, $0xb8;
	[tilespmem:$0x1DC00] =	vst v63  }
.LBB2_32:
0x34: {  	_ =	swait.ge [sflag:s29], $0x4000  }
0x35: {  	p1 =	sgt.u32 s23, $0x2A;
	[sflag:s29] =	ssyncset.done $0x0  }
0x36: {  	s17 =	simm.s32 @!p1 $0xD;
	[sflag:s29] =	ssyncadd.s32 $0xFFFFC000  }
0x37: {  	[hbm4b:s8+s4] =	stream.linear.scatter [tilespmem:s13], [sflag:$0x8], $0x4000, $0x38;
	[tilespmem:$0x1DC00] =	vst v63  }
0x38: {  	_ =	swait.ge @!p1 [sflag:s17], $0x4000  }
0x39: {  	s23 =	simm.s32 @!p0 $0x80;
	s26 =	simm.s32 @!p0 $0x15C00;
	[sflag:s17] =	ssyncset.done @!p1 $0x0  }
0x3a: {  	s1 =	sshll.u32 @!p0 s1, $0xE;
	[sflag:s17] =	ssyncadd.s32 @!p1 $0xFFFFC000;
	s17 =	sadd.s32 @!p0 $0x280, s10  }
0x3b: {  	[tilespmem:s26], [sflag:$0x6] =	stream.indirect.gather @!p0 [hbm4b:s2+s23], $0x80, s17, s23, $0xb8;
	[tilespmem:$0x1DC00] =	vst v63  }
0x3c: {  	s1 =	sadd.s32 @!p0 s5, s1;
	s17 =	simm.s32 @!p0 $0x2  }
0x3d: {  	s1 =	sshrl.u32 @!p0 s1, $0x3;
	_ =	swait.ge @!p0 [sflag:s17], $0x4000  }
0x3e: {  	s1 =	sadd.s32 @!p0 s3, s1;
	p1 =	sgt.u32 s21, $0x2A;
	[sflag:s17] =	ssyncset.done @!p0 $0x0  }
0x3f: {  	s26 =	simm.s32 @!p0 $0x5C00;
	[sflag:s17] =	ssyncadd.s32 @!p0 $0xFFFFC000;
	s17 =	simm.s32 @!p0 $0x0  }
0x40: {  	[hbm4b:s1+s17] =	stream.linear.scatter @!p0 [tilespmem:s26], [sflag:$0x9], $0x4000, $0x38;
	[tilespmem:$0x1DC00] =	vst v63  }
0x41: {  	s1 =	simm.s32 @!p1 $0xE  }
0x42: {  	_ =	swait.ge @!p1 [sflag:s1], $0x4000  }
0x43: {  	[sflag:s1] =	ssyncset.done @!p1 $0x0  }
0x44: {  	[sflag:s1] =	ssyncadd.s32 @!p1 $0xFFFFC000;
	s1 =	sadd.s32 @!p0 $0x300, s10;
	s10 =	simm.s32 @!p0 $0x19C00  }
0x45: {  	[tilespmem:s10], [sflag:$0x7] =	stream.indirect.gather @!p0 [hbm4b:s2+s23], $0x80, s1, s23, $0xb8;
	[tilespmem:$0x1DC00] =	vst v63  }
0x46: {  	s1 =	simm.s32 @!p0 $0x3;
	s10 =	sshll.u32 @!p0 s31, $0xE  }
0x47: {  	_ =	swait.ge @!p0 [sflag:s1], $0x4000;
	s10 =	sadd.s32 @!p0 s5, s10  }
0x48: {  	s0 =	sadd.s32 $0x7, s0;
	[sflag:s1] =	ssyncset.done @!p0 $0x0;
	s10 =	sshrl.u32 @!p0 s10, $0x3  }
0x49: {  	[sflag:s1] =	ssyncadd.s32 @!p0 $0xFFFFC000;
	s1 =	sadd.s32 @!p0 s3, s10;
	s10 =	simm.s32 @!p0 $0x9C00  }
0x4a: {  	[hbm4b:s1+s17] =	stream.linear.scatter @!p0 [tilespmem:s10], [sflag:$0xA], $0x4000, $0x38;
	[tilespmem:$0x1DC00] =	vst v63  }
0x4b: {  	p0 =	sne.s32 s0, $0x3A  }
.Ltmp3:
0x4c: {  	_ = 	snop;
	(pc) =	sbr.rel @!p0 .LBB2_33-.Ltmp3, $3  }
0x4d: {  	_ =	sdelay $0x1  }
0x4e: {  	s6 =	sadd.s32 $0x1, s6  }
0x4f: {  	s7 =	sadd.s32 $0x380, s7;
	s9 =	sadd.s32 $0x1C000, s9;
	s8 =	sadd.s32 $0x3800, s8  }
.LBB2_2:
0x50: {  	s1 =	sadd.s32 $0xFFFFFFF7, s0  }
0x51: {  	p0 =	sgt.u32 s1, $0x2A  }
.Ltmp4:
0x52: {  	_ = 	snop;
	(pc) =	sbr.rel @p0 .LBB2_7-.Ltmp4, $2  }
0x53: {  	_ =	sdelay $0x2  }
0x54: {  	s30 =	smul.u32 $0x7, s6  }
.Ltmp5:
0x55: {  	(pc) =	sbr.rel .LBB2_4-.Ltmp5, $4  }
0x56: {  	_ =	swait.ge [sflag:s11], $0x4000;
	s1 =	smul.u32 $0xE00, s6  }
0x57: {  	[sflag:s11] =	ssyncset.done $0x0  }
0x58: {  	[sflag:s11] =	ssyncadd.s32 $0xFFFFC000;
	s10 =	sshra.s32 s1, $0x2  }
0x59: {  	[tilespmem:s13], [sflag:$0x1] =	stream.indirect.gather [hbm4b:s2+s12], $0x80, s7, s12, $0xb8;
	[tilespmem:$0x1DC00] =	vst v63  }
.LBB2_7:
0x5a: {  	s21 =	sadd.s32 $0xFFFFFFFA, s0  }
0x5b: {  	p0 =	slt.u32 s21, $0x32  }
.Ltmp6:
0x5c: {  	_ = 	snop;
	(pc) =	sbr.rel @!p0 .LBB2_8-.Ltmp6, $3  }
0x5d: {  	_ =	sdelay $0x1  }
0x5e: {  	[tilespmem:s13], [sflag:$0x1] =	stream.indirect.gather [hbm4b:s2+s12], $0x80, s7, s12, $0xb8;
	[tilespmem:$0x1DC00] =	vst v63  }
0x5f: {  	s10 =	smov.u32 s7  }
.LBB2_4:
0x60: {  	s31 =	sadd.s32 $0xFFFFFFF8, s0  }
0x61: {  	p0 =	sgt.u32 s31, $0x2A  }
.Ltmp7:
0x62: {  	_ = 	snop;
	(pc) =	sbr.rel @p0 .LBB2_10-.Ltmp7, $4  }
0x63: {  	_ =	swait.ge [sflag:s14], $0x4000  }
0x64: {  	s1 =	sshrl.u32 s9, $0x3;
	[sflag:s14] =	ssyncset.done $0x0  }
0x65: {  	s21 =	sadd.s32 $0xFFFFFFFA, s0;
	s1 =	sadd.s32 s3, s1;
	[sflag:s14] =	ssyncadd.s32 $0xFFFFC000  }
0x66: {  	[hbm4b:s1+s4] =	stream.linear.scatter [tilespmem:s15], [sflag:$0xB], $0x4000, $0x38;
	[tilespmem:$0x1DC00] =	vst v63  }
0x67: {  	p0 =	seq.s32 s0, $0x33  }
.Ltmp8:
0x68: {  	_ = 	snop;
	(pc) =	sbr.rel @!p0 .LBB2_12-.Ltmp8, $4  }
0x69: {  	s1 =	simm.s32 $0x9  }
0x6a: {  	_ =	swait.ge [sflag:s1], $0x4000  }
0x6b: {  	[sflag:s1] =	ssyncset.done $0x0  }
0x6c: {  	[sflag:s1] =	ssyncadd.s32 $0xFFFFC000  }
.Ltmp9:
0x6d: {  	(pc) =	sbr.rel .LBB2_13-.Ltmp9, $2  }
0x6e: {  	_ =	sdelay $0x2  }
0x6f: {  	p0 =	por $0x1, $0x1;
	s17 =	simm.s32 $0x2E  }
.LBB2_10:
0x70: {  	p0 =	seq.s32 s0, $0x33  }
.Ltmp10:
0x71: {  	_ = 	snop;
	(pc) =	sbr.rel @!p0 .LBB2_12-.Ltmp10, $1  }
0x72: {  	_ =	sdelay $0x3  }
.Ltmp11:
0x73: {  	(pc) =	sbr.rel .LBB2_13-.Ltmp11, $2  }
0x74: {  	_ =	sdelay $0x2  }
0x75: {  	p0 =	por $0x1, $0x1;
	s17 =	simm.s32 $0x2E  }
.LBB2_12:
.Ltmp12:
0x76: {  	(pc) =	sbr.rel .LBB2_13-.Ltmp12, $4  }
0x77: {  	_ = 	snop  }
0x78: {  	s1 =	sadd.s32 $0x80, s7;
	s17 =	simm.s32 $0x5C00  }
0x79: {  	[tilespmem:s17], [sflag:$0x2] =	stream.indirect.gather [hbm4b:s2+s12], $0x80, s1, s12, $0xb8;
	[tilespmem:$0x1DC00] =	vst v63  }
0x7a: {  	p0 =	por $0x0, $0x0;
	s17 =	sadd.s32 $0xFFFFFFFB, s0  }
.LBB2_8:
0x7b: {  	p1 =	seq.s32 s0, $0x33  }
0x7c: {  	s1 =	sadd.s32 @!p1 $0x80, s7;
	s10 =	simm.s32 @!p1 $0x80;
	s17 =	simm.s32 @!p1 $0x5C00  }
0x7d: {  	[tilespmem:s17], [sflag:$0x2] =	stream.indirect.gather @!p1 [hbm4b:s2+s10], $0x80, s1, s10, $0xb8;
	[tilespmem:$0x1DC00] =	vst v63  }
0x7e: {  	s17 =	sadd.s32 @!p1 $0xFFFFFFFB, s0  }
0x7f: {  	p0 =	sgt.u32 @!p1 s17, $0x31  }
0x80: {  	p0 =	por p1, !p0  }
.Ltmp13:
0x81: {  	_ = 	snop;
	(pc) =	sbr.rel @!p0 .LBB2_18-.Ltmp13, $1  }
0x82: {  	_ =	sdelay $0x3  }
0x83: {  	p2 =	por @!p1 $0x0, $0x0;
	s17 =	simm.s32 @!p1 $0x0;
	p0 =	por $0x1, $0x1  }
0x84: {  	s21 =	sadd.s32 $0xFFFFFFFC, s30;
	s10 =	smov.u32 s7;
	s17 =	simm.s32 @p1 $0x2E  }
0x85: {  	p0 =	por @!p1 p2, p2;
	s10 =	smov.u32 @p1 s7;
	s21 =	smov.u32 @p1 s21  }
.LBB2_13:
0x86: {  	s26 =	sadd.s32 $0xFFFFFFF9, s0  }
0x87: {  	s1 =	sshll.u32 s17, $0xE;
	p1 =	sgt.u32 s26, $0x2A  }
.Ltmp14:
0x88: {  	_ =	swait.ge [sflag:s18], $0x4000;
	s1 =	sadd.s32 s5, s1;
	(pc) =	sbr.rel @p1 .LBB2_16-.Ltmp14, $4  }
0x89: {  	[sflag:s18] =	ssyncset.done $0x0;
	s1 =	sshrl.u32 s1, $0x3  }
0x8a: {  	[sflag:s18] =	ssyncadd.s32 $0xFFFFC000;
	s1 =	sadd.s32 s3, s1  }
0x8b: {  	[hbm4b:s1+s4] =	stream.linear.scatter [tilespmem:s19], [sflag:$0xC], $0x4000, $0x38;
	[tilespmem:$0x1DC00] =	vst v63  }
0x8c: {  	s31 =	sadd.s32 $0x2, s30;
	s1 =	sadd.s32 $0xFFFFFFFF, s0  }
.Ltmp15:
0x8d: {  	(pc) =	sbr.rel @p0 .LBB2_17-.Ltmp15, $4  }
0x8e: {  	_ = 	snop  }
0x8f: {  	_ =	swait.ge [sflag:s20], $0x4000  }
0x90: {  	[sflag:s20] =	ssyncset.done $0x0  }
0x91: {  	[sflag:s20] =	ssyncadd.s32 $0xFFFFC000  }
.LBB2_15:
.Ltmp16:
0x92: {  	(pc) =	sbr.rel .LBB2_20-.Ltmp16, $4  }
0x93: {  	_ = 	snop  }
0x94: {  	s23 =	sadd.s32 $0x100, s7;
	s26 =	simm.s32 $0x9C00  }
0x95: {  	[tilespmem:s26], [sflag:$0x3] =	stream.indirect.gather [hbm4b:s2+s12], $0x80, s23, s12, $0xb8;
	[tilespmem:$0x1DC00] =	vst v63  }
0x96: {  	p0 =	por $0x0, $0x0;
	s23 =	sadd.s32 $0xFFFFFFFC, s0  }
.LBB2_16:
.Ltmp17:
0x97: {  	(pc) =	sbr.rel @!p0 .LBB2_15-.Ltmp17, $1  }
0x98: {  	_ =	sdelay $0x3  }
.LBB2_17:
0x99: {  	s23 =	sadd.s32 $0xFFFFFFFE, s30;
	p0 =	por $0x1, $0x1  }
.LBB2_20:
0x9a: {  	p1 =	sgt.u32 s21, $0x2A  }
.Ltmp18:
0x9b: {  	s26 =	sshll.u32 s23, $0xE;
	(pc) =	sbr.rel @p1 .LBB2_23-.Ltmp18, $4  }
0x9c: {  	_ =	swait.ge [sflag:s22], $0x4000;
	s26 =	sadd.s32 s5, s26  }
0x9d: {  	[sflag:s22] =	ssyncset.done $0x0;
	s26 =	sshrl.u32 s26, $0x3  }
0x9e: {  	s16 =	simm.s32 $0x15C00;
	[sflag:s22] =	ssyncadd.s32 $0xFFFFC000;
	s26 =	sadd.s32 s3, s26  }
0x9f: {  	[hbm4b:s26+s4] =	stream.linear.scatter [tilespmem:s16], [sflag:$0xD], $0x4000, $0x38;
	[tilespmem:$0x1DC00] =	vst v63  }
.Ltmp19:
0xa0: {  	(pc) =	sbr.rel @p0 .LBB2_24-.Ltmp19, $4  }
0xa1: {  	_ = 	snop  }
0xa2: {  	_ =	swait.ge [sflag:s24], $0x4000  }
0xa3: {  	[sflag:s24] =	ssyncset.done $0x0  }
0xa4: {  	[sflag:s24] =	ssyncadd.s32 $0xFFFFC000  }
.LBB2_22:
.Ltmp20:
0xa5: {  	(pc) =	sbr.rel .LBB2_28-.Ltmp20, $4  }
0xa6: {  	_ = 	snop  }
0xa7: {  	s21 =	sadd.s32 $0x180, s10  }
0xa8: {  	[tilespmem:s15], [sflag:$0x4] =	stream.indirect.gather [hbm4b:s2+s12], $0x80, s21, s12, $0xb8;
	[tilespmem:$0x1DC00] =	vst v63  }
0xa9: {  	p1 =	por $0x0, $0x0;
	s21 =	sadd.s32 $0xFFFFFFFD, s0  }
.LBB2_23:
.Ltmp21:
0xaa: {  	(pc) =	sbr.rel @!p0 .LBB2_22-.Ltmp21, $1  }
0xab: {  	_ =	sdelay $0x3  }
.LBB2_24:
0xac: {  	s21 =	sadd.s32 $0xFFFFFFFF, s30;
	p1 =	por $0x1, $0x1  }
.LBB2_28:
0xad: {  	p0 =	sgt.u32 s17, $0x2A  }
.Ltmp22:
0xae: {  	s26 =	sshll.u32 s21, $0xE;
	(pc) =	sbr.rel @p0 .LBB2_30-.Ltmp22, $4  }
0xaf: {  	_ =	swait.ge [sflag:s25], $0x4000;
	s26 =	sadd.s32 s5, s26  }
0xb0: {  	[sflag:s25] =	ssyncset.done $0x0;
	s26 =	sshrl.u32 s26, $0x3  }
0xb1: {  	s16 =	simm.s32 $0x19C00;
	[sflag:s25] =	ssyncadd.s32 $0xFFFFC000;
	s26 =	sadd.s32 s3, s26  }
0xb2: {  	[hbm4b:s26+s4] =	stream.linear.scatter [tilespmem:s16], [sflag:$0xE], $0x4000, $0x38;
	[tilespmem:$0x1DC00] =	vst v63  }
.Ltmp23:
0xb3: {  	(pc) =	sbr.rel @p1 .LBB2_32-.Ltmp23, $4  }
.Ltmp24:
0xb4: {  	(pc) =	sbr.rel @!p1 .LBB2_31-.Ltmp24, $4  }
0xb5: {  	_ =	swait.ge [sflag:s28], $0x4000  }
0xb6: {  	[sflag:s28] =	ssyncset.done $0x0  }
0xb7: {  	p0 =	por $0x1, $0x1;
	[sflag:s28] =	ssyncadd.s32 $0xFFFFC000  }
0xb8: {  	_ = 	snop  }
.LBB2_30:
.Ltmp25:
0xb9: {  	(pc) =	sbr.rel @p1 .LBB2_32-.Ltmp25, $4  }
.Ltmp26:
0xba: {  	(pc) =	sbr.rel @!p1 .LBB2_31-.Ltmp26, $4  }
0xbb: {  	_ = 	snop  }
0xbc: {  	_ = 	snop  }
0xbd: {  	p0 =	por $0x1, $0x1  }
0xbe: {  	_ = 	snop  }
.LBB2_18:
0xbf: {  	s23 =	sadd.s32 $0xFFFFFFFC, s0  }
0xc0: {  	p0 =	sgt.u32 s23, $0x31  }
.Ltmp27:
0xc1: {  	_ = 	snop;
	(pc) =	sbr.rel @p0 .LBB2_25-.Ltmp27, $3  }
0xc2: {  	_ =	sdelay $0x1  }
0xc3: {  	s1 =	sadd.s32 $0x100, s7;
	s10 =	simm.s32 $0x9C00  }
0xc4: {  	[tilespmem:s10], [sflag:$0x3] =	stream.indirect.gather [hbm4b:s2+s12], $0x80, s1, s12, $0xb8;
	[tilespmem:$0x1DC00] =	vst v63  }
.Ltmp28:
0xc5: {  	(pc) =	sbr.rel .LBB2_20-.Ltmp28, $3  }
0xc6: {  	_ =	sdelay $0x1  }
0xc7: {  	s1 =	sadd.s32 $0x1, s30;
	s31 =	sadd.s32 $0x2, s30  }
0xc8: {  	p0 =	por $0x0, $0x0;
	s23 =	simm.s32 $0x0;
	s10 =	smov.u32 s7  }
.LBB2_25:
0xc9: {  	s31 =	sadd.s32 $0xFFFFFFFD, s0  }
0xca: {  	p0 =	sgt.u32 s31, $0x31  }
.Ltmp29:
0xcb: {  	_ = 	snop;
	(pc) =	sbr.rel @p0 .LBB2_26-.Ltmp29, $4  }
0xcc: {  	_ = 	snop  }
0xcd: {  	s1 =	sadd.s32 $0x180, s7  }
0xce: {  	[tilespmem:s15], [sflag:$0x4] =	stream.indirect.gather [hbm4b:s2+s12], $0x80, s1, s12, $0xb8;
	[tilespmem:$0x1DC00] =	vst v63  }
0xcf: {  	s21 =	simm.s32 $0xFFFFFFFF;
	s1 =	sadd.s32 $0xFFFFFFFF, s0  }
.Ltmp30:
0xd0: {  	(pc) =	sbr.rel .LBB2_28-.Ltmp30, $3  }
0xd1: {  	_ =	sdelay $0x1  }
0xd2: {  	p1 =	por $0x0, $0x0  }
0xd3: {  	s21 =	simm.s32 $0x0;
	s10 =	smov.u32 s7;
	s31 =	smov.u32 s0  }
.LBB2_34:
0xd4: {  	_ =	sfence.sel $0x180000  }
0xd5: {  	[bflag:$0x0] =	sbarrier.arrive $0xFFFF  }
0xd6: {  	_ =	strace $0x90000047  }
0xd7: {  	s0 =	stileid.u32;
	[bflag:$0x2] =	sbarrier.arrive $0xFFFF  }
0xd8: {  	p0 =	sne.s32 s0, $0x0;
	s0 =	rddreg [dreg:$0x3]  }
0xd9: {  	s0 =	sadd.s32 @!p0 $0x100000, s0  }
0xda: {  	[sflag:s0] =	ssyncadd.tile.s32 @!p0 $0x1;
	_ =	shalt  }
.Lfunc_end2:
_tile_overlayer_lowered:
.L_overlay_start_2:
0xdb: {  	(tag) =	ssettag $0x2  }
0xdc: {  	s0 =	rddreg [dreg:$0x0];
	s2 =	stileid.u32  }
0xdd: {  	s1 =	rddreg [dreg:$0x1];
	p0 =	sne.s32 s2, $0x0  }
0xde: {  	s3 =	rddreg [dreg:$0x2];
	[bflag:$0x3] =	sbarrier.arrive $0xFFFF;
	s2 =	simm.s32 @!p0 $0x1C0F  }
0xdf: {  	[timem:s3], [sflag:s2] =	dma.local @!p0 [hbm:s0], s1  }
0xe0: {  	s0 =	simm.s32 @!p0 $0xF  }
0xe1: {  	_ =	swait.ge @!p0 [sflag:s0], s1  }
0xe2: {  	s1 =	ssub.s32 @!p0 $0x0, s1;
	[sflag:s0] =	ssyncset.done @!p0 $0x0  }
0xe3: {  	[sflag:s0] =	ssyncadd.s32 @!p0 s1  }
0xe4: {  	[bflag:$0x3] =	sbarrier.arrive $0xFFFF  }
0xe5: {  	_ =	shalt  }

</sc_bundles>
